<compile_context>
chip_gen: v7x
topology: tpu7x:2x2x1
jax: 0.10.2.dev20260603
libtpu: 0.0.44.dev20260713+nightly
codegen_flags: <defaults>
</compile_context>

<pallas_src>
import functools
import jax
import jax.numpy as jnp
from jax import lax
from jax.experimental import pallas as pl
from jax.experimental.pallas import tpu as pltpu
from jax.experimental.pallas import tpu_sc as plsc

_N = 10000
_NP = 10240
_E = 320000
_EP = 327680
_EPT = _EP // 16
_DE = 16
_EPS = 1e-5
_HALF = _NP // 2
_CH = 160
_CHW = _CH * _NP
_NCH = _HALF // _CH
_TECW = _CHW // 16

_mesh = plsc.VectorSubcoreMesh(core_axis_name="c", subcore_axis_name="s")


@functools.partial(
    pl.kernel, mesh=_mesh,
    out_type=jax.ShapeDtypeStruct((_NP, _DE), jnp.float32),
    scratch_types=[
        pltpu.VMEM((2048,), jnp.int32),
        pltpu.VMEM((4, 128, _DE), jnp.float32),
        pltpu.VMEM((4, 128), jnp.int32),
        pltpu.VMEM((64,), jnp.int32),
        pltpu.VMEM_SHARED((5248, _DE), jnp.float32),
        pltpu.SemaphoreType.DMA,
        pltpu.SemaphoreType.DMA,
    ],
)
def _ea_kernel(dst_hbm, ea_hbm, zero_hbm, loop_hbm, out_hbm,
               dst_v, ea_ring, idx_ring, idx64_v, acc, sem_st, sem_sc):
    c = lax.axis_index("c")
    s = lax.axis_index("s")
    lo = c * _HALF
    ebase = s * _EPT

    pltpu.sync_copy(zero_hbm, acc.at[pl.ds(s * 328, 328)])
    plsc.subcore_barrier()

    def stage(st, carry):
        eb = ebase + st * 2048
        pltpu.sync_copy(dst_hbm.at[pl.ds(eb, 2048)], dst_v)

        def group(gr, carry2):
            st_copies = [
                pltpu.async_copy(
                    ea_hbm.at[pl.ds(eb + (gr * 4 + slot) * 128, 128)],
                    ea_ring.at[slot], sem_st)
                for slot in range(4)
            ]
            sc_copies = []
            for slot in range(4):
                st_copies[slot].wait()

                def vb(v, carry3, _slot=slot):
                    o = (gr * 4 + _slot) * 128 + v * 16
                    d = dst_v[pl.ds(o, 16)]
                    ok = (d >= lo) & (d < lo + _HALF)
                    idx_ring[_slot, pl.ds(v * 16, 16)] = jnp.where(
                        ok, d - lo, _HALF)
                    return carry3
                lax.fori_loop(0, 8, vb, 0)
                sc_copies.append(pltpu.async_copy(
                    ea_ring.at[slot], acc.at[idx_ring.at[slot]], sem_sc,
                    add=True))
            for cp in sc_copies:
                cp.wait()
            return carry2
        lax.fori_loop(0, 4, group, 0)
        return carry
    lax.fori_loop(0, 10, stage, 0)

    rbase = s * 320
    grow0 = c * _HALF + rbase
    lanes = lax.iota(jnp.int32, 16)
    pltpu.sync_copy(loop_hbm, ea_ring.at[0])

    def loop_idx(v, carry):
        g = grow0 + v * 16 + lanes
        ok = g < _N
        idx_ring[0, pl.ds(v * 16, 16)] = jnp.where(
            ok, rbase + v * 16 + lanes, _HALF)
        return carry
    lax.fori_loop(0, 8, loop_idx, 0)
    pltpu.sync_copy(ea_ring.at[0], acc.at[idx_ring.at[0]], add=True)

    def loop_idx2(v, carry):
        g = grow0 + 128 + v * 16 + lanes
        ok = g < _N
        idx_ring[0, pl.ds(v * 16, 16)] = jnp.where(
            ok, rbase + 128 + v * 16 + lanes, _HALF)
        return carry
    lax.fori_loop(0, 8, loop_idx2, 0)
    pltpu.sync_copy(ea_ring.at[0], acc.at[idx_ring.at[0]], add=True)

    def loop_idx3(v, carry):
        g = grow0 + 256 + v * 16 + lanes
        ok = g < _N
        idx64_v[pl.ds(v * 16, 16)] = jnp.where(
            ok, rbase + 256 + v * 16 + lanes, _HALF)
        return carry
    lax.fori_loop(0, 4, loop_idx3, 0)
    pltpu.sync_copy(ea_ring.at[0, pl.ds(0, 64)], acc.at[idx64_v], add=True)

    plsc.subcore_barrier()
    pltpu.sync_copy(acc.at[pl.ds(rbase, 320)],
                    out_hbm.at[pl.ds(c * _HALF + rbase, 320)])


def _prep_body(x_ref, ea_ref, wh_ref, we_ref, b_ref, u_ref, r_ref):
    u = jnp.dot(x_ref[...], wh_ref[...], preferred_element_type=jnp.float32)
    r = u + jnp.dot(ea_ref[...], we_ref[...],
                    preferred_element_type=jnp.float32) + b_ref[...]
    u_ref[...] = u.astype(jnp.bfloat16)
    r_ref[...] = r


def _prep(x, ea_sum, wh, we, b, bm=1024):
    np_, din = x.shape
    dh = wh.shape[1]
    grid = (np_ // bm,)
    return pl.pallas_call(
        _prep_body,
        grid=grid,
        in_specs=[
            pl.BlockSpec((bm, din), lambda i: (i, 0)),
            pl.BlockSpec((bm, _DE), lambda i: (i, 0)),
            pl.BlockSpec((din, dh), lambda i: (0, 0)),
            pl.BlockSpec((_DE, dh), lambda i: (0, 0)),
            pl.BlockSpec((1, dh), lambda i: (0, 0)),
        ],
        out_specs=[
            pl.BlockSpec((bm, dh), lambda i: (i, 0)),
            pl.BlockSpec((bm, dh), lambda i: (i, 0)),
        ],
        out_shape=[
            jax.ShapeDtypeStruct((np_, dh), jnp.bfloat16),
            jax.ShapeDtypeStruct((np_, dh), jnp.float32),
        ],
    )(x, ea_sum, wh, we, b.reshape(1, dh))


def _agg_body(a_ref, u_ref, r_ref, g_ref, be_ref, o_ref, acc_ref, *, nk):
    k = pl.program_id(1)

    @pl.when(k == 0)
    def _():
        acc_ref[...] = jnp.zeros_like(acc_ref)

    acc_ref[...] += jnp.dot(a_ref[...].astype(jnp.bfloat16), u_ref[...],
                            preferred_element_type=jnp.float32)

    @pl.when(k == nk - 1)
    def _():
        z = acc_ref[...] + r_ref[...]
        y = jnp.maximum(z, 0.0)
        mu = jnp.mean(y, axis=-1, keepdims=True)
        var = jnp.mean(jnp.square(y - mu), axis=-1, keepdims=True)
        yn = (y - mu) * jax.lax.rsqrt(var + _EPS) * g_ref[...] + be_ref[...]
        o_ref[...] = jnp.maximum(yn, 0.0)


def _agg_layer(a, u, r, g, be, bm=1024, bk=512):
    np_, dh = r.shape
    nk = np_ // bk
    grid = (np_ // bm, nk)
    return pl.pallas_call(
        functools.partial(_agg_body, nk=nk),
        grid=grid,
        in_specs=[
            pl.BlockSpec((bm, bk), lambda i, k: (i, k)),
            pl.BlockSpec((bk, dh), lambda i, k: (k, 0)),
            pl.BlockSpec((bm, dh), lambda i, k: (i, 0)),
            pl.BlockSpec((1, dh), lambda i, k: (0, 0)),
            pl.BlockSpec((1, dh), lambda i, k: (0, 0)),
        ],
        out_specs=pl.BlockSpec((bm, dh), lambda i, k: (i, 0)),
        out_shape=jax.ShapeDtypeStruct((np_, dh), jnp.float32),
        scratch_shapes=[pltpu.VMEM((bm, dh), jnp.float32)],
        compiler_params=pltpu.CompilerParams(
            dimension_semantics=("parallel", "arbitrary")),
    )(a, u, r, g.reshape(1, dh), be.reshape(1, dh))


def kernel(h, edge_index, edge_attr, W0, b0, W1, b1, W2, b2,
           g0, be0, g1, be1, g2, be2):
    src = edge_index[0]
    dst = edge_index[1]

    npad = _EP - _E
    dst_p = jnp.concatenate([dst, jnp.full((npad,), _NP, jnp.int32)])
    ea_p = jnp.pad(edge_attr, ((0, npad), (0, 0)))

    zero_ea = jnp.zeros((328, _DE), jnp.float32)
    loop_rows = jnp.zeros((128, _DE), jnp.float32).at[:, _DE - 1].set(1.0)

    ea_sum = _ea_kernel(dst_p, ea_p, zero_ea, loop_rows)
    a = jnp.zeros((_NP, _NP), jnp.bfloat16).at[dst, src].add(1.0)

    x = jnp.pad(h, ((0, _NP - _N), (0, 0)))
    for (w, b, g, be) in ((W0, b0, g0, be0), (W1, b1, g1, be1),
                          (W2, b2, g2, be2)):
        u, r = _prep(x, ea_sum, w[_DE:], w[:_DE], b)
        x = _agg_layer(a, u, r, g, be)
    return x[:_N]

# --- scband reference (transcript-rebuilt; emitter-appended) ---
"""Pipeline reference for scband-gin-30700426232193 (READ-ONLY COPY).

The authoritative reference and input builder live on the scoring server;
editing this copy changes nothing except your own understanding.
"""

import jax, jax.numpy as jnp
import numpy as np

N = 10000
E = 320000
D_IN = 128
D_EDGE = 16
D_HID = 256
N_CLASSES = 128
EPS = 1e-5


def _layernorm(h, g, b):
    mu = jnp.mean(h, axis=-1, keepdims=True)
    var = jnp.var(h, axis=-1, keepdims=True)
    return (h - mu) / jnp.sqrt(var + EPS) * g + b


def _gin_conv(h, edge_attr, src, dst, W, b):
    # dgl.add_self_loop: append one self edge per node
    loop_attr = jnp.zeros((N, D_EDGE), dtype=jnp.float32).at[:, -1].set(1.0)
    ar = jnp.arange(N, dtype=src.dtype)
    src_f = jnp.concatenate([src, ar], axis=0)
    dst_f = jnp.concatenate([dst, ar], axis=0)
    ea_f = jnp.concatenate([edge_attr, loop_attr], axis=0)
    # edge_func: m = cat([e, src_h], dim=1)
    m = jnp.concatenate([ea_f, h[src_f]], axis=1)
    # update_all with fn.sum('m','h_neigh')
    h_neigh = jax.ops.segment_sum(m, dst_f, num_segments=N)
    # mlp: Linear + ReLU
    return jax.nn.relu(h_neigh @ W + b)


def setup_inputs(seed: int = 0) -> dict:
    key = jax.random.key(seed)
    ks = jax.random.split(key, 16)
    h = jax.random.normal(ks[0], (N, D_IN), dtype=jnp.float32)
    edge_index = jax.random.randint(ks[1], (2, E), 0, N, dtype=jnp.int32)
    edge_attr = jax.random.normal(ks[2], (E, D_EDGE), dtype=jnp.float32)
    def lin(k, fan_in, fan_out):
        bound = 1.0 / np.sqrt(fan_in)
        k1, k2 = jax.random.split(k)
        W = jax.random.uniform(k1, (fan_in, fan_out), minval=-bound, maxval=bound, dtype=jnp.float32)
        bb = jax.random.uniform(k2, (fan_out,), minval=-bound, maxval=bound, dtype=jnp.float32)
        return W, bb
    W0, b0 = lin(ks[3], D_IN + D_EDGE, D_HID)
    W1, b1 = lin(ks[4], D_HID + D_EDGE, D_HID)
    W2, b2 = lin(ks[5], D_HID + D_EDGE, N_CLASSES)
    g0 = jnp.ones((D_HID,), dtype=jnp.float32); be0 = jnp.zeros((D_HID,), dtype=jnp.float32)
    g1 = jnp.ones((D_HID,), dtype=jnp.float32); be1 = jnp.zeros((D_HID,), dtype=jnp.float32)
    g2 = jnp.ones((N_CLASSES,), dtype=jnp.float32); be2 = jnp.zeros((N_CLASSES,), dtype=jnp.float32)
    return {"h": h, "edge_index": edge_index, "edge_attr": edge_attr,
            "W0": W0, "b0": b0, "W1": W1, "b1": b1, "W2": W2, "b2": b2,
            "g0": g0, "be0": be0, "g1": g1, "be1": be1, "g2": g2, "be2": be2}


def reference(h, edge_index, edge_attr, W0, b0, W1, b1, W2, b2, g0, be0, g1, be1, g2, be2):
    src = edge_index[0]
    dst = edge_index[1]
    # layer 0 (dropout p=0.0 skipped for i==0 anyway)
    x = _gin_conv(h, edge_attr, src, dst, W0, b0)
    x = jax.nn.relu(_layernorm(x, g0, be0))
    # layer 1 (dropout p=0.0 -> identity)
    x = _gin_conv(x, edge_attr, src, dst, W1, b1)
    x = jax.nn.relu(_layernorm(x, g1, be1))
    # layer 2
    x = _gin_conv(x, edge_attr, src, dst, W2, b2)
    x = jax.nn.relu(_layernorm(x, g2, be2))
    return x

if __name__ == "__main__":
    import jax
    _d = setup_inputs()
    print(jax.jit(kernel)(*tuple(_d.values())))

</pallas_src>

<mosaic_0001>
#map = affine_map<(d0, d1) -> (0)>
#map1 = affine_map<(d0, d1) -> (0, 0)>
module attributes {stable_mosaic.version = 14 : i64} {
  func.func @_ea_kernel(%arg0: i32, %arg1: i32, %arg2: memref<327680xi32, #tpu.memory_space<hbm>>, %arg3: memref<327680x16xf32, #tpu.memory_space<hbm>>, %arg4: memref<328x16xf32, #tpu.memory_space<hbm>>, %arg5: memref<128x16xf32, #tpu.memory_space<hbm>>, %arg6: memref<10240x16xf32, #tpu.memory_space<hbm>>, %arg7: memref<2048xi32, #tpu.memory_space<vmem>>, %arg8: memref<4x128x16xf32, #tpu.memory_space<vmem>>, %arg9: memref<4x128xi32, #tpu.memory_space<vmem>>, %arg10: memref<64xi32, #tpu.memory_space<vmem>>, %arg11: memref<5248x16xf32, #tpu.memory_space<vmem_shared>>, %arg12: memref<!tpu.dma_semaphore, #tpu.memory_space<semaphore_mem>>, %arg13: memref<!tpu.dma_semaphore, #tpu.memory_space<semaphore_mem>>) attributes {dimension_semantics = [#tpu.dimension_semantics<core_parallel>, #tpu.dimension_semantics<subcore_parallel>], iteration_bounds = array<i64: 2, 16>, scalar_prefetch = 0 : i64, scratch_operands = 7 : i64, tpu.core_type = #tpu.core_type<sc_vector_subcore>, window_params = [{transform_indices = #map}, {transform_indices = #map1}, {transform_indices = #map1}, {transform_indices = #map1}, {transform_indices = #map1}]} {
    %mul3A = arith.constant 5120 : i32
    %mul3A_0 = arith.muli %arg0, %mul3A : i32
    %mul3A_1 = arith.constant 20480 : i32
    %mul3A_2 = arith.muli %arg1, %mul3A_1 : i32
    %mul3A_3 = arith.constant 328 : i32
    %mul3A_4 = arith.muli %arg1, %mul3A_3 : i32
    "tpu.region"() ({
      %run_scoped3A_41 = tpu.sem_alloc : memref<!tpu.dma_semaphore, #tpu.memory_space<semaphore_mem>>
      %dma_start3A = arith.constant 0 : i32
      %dma_start3A_42 = tpu.memref_slice %arg11[%mul3A_4, %dma_start3A] : memref<5248x16xf32, #tpu.memory_space<vmem_shared>> -> memref<328x16xf32, #tpu.memory_space<vmem_shared>>
      tpu.enqueue_dma source(%arg4 : memref<328x16xf32, #tpu.memory_space<hbm>>) target(%dma_start3A_42 : memref<328x16xf32, #tpu.memory_space<vmem_shared>>) target_semaphore(%run_scoped3A_41 : memref<!tpu.dma_semaphore, #tpu.memory_space<semaphore_mem>>)
      %dma_wait3A = arith.constant 0 : i32
      %dma_wait3A_43 = tpu.memref_slice %arg11[%mul3A_4, %dma_wait3A] : memref<5248x16xf32, #tpu.memory_space<vmem_shared>> -> memref<328x16xf32, #tpu.memory_space<vmem_shared>>
      tpu.wait_dma2 semaphore(%run_scoped3A_41 : memref<!tpu.dma_semaphore, #tpu.memory_space<semaphore_mem>>) src(%arg4 : memref<328x16xf32, #tpu.memory_space<hbm>>) dst(%dma_wait3A_43 : memref<328x16xf32, #tpu.memory_space<vmem_shared>>)
      tpu.yield
    }) : () -> ()
    %barrier3A = arith.constant 0 : index
    tpu.barrier barrier_id(%barrier3A)
    %scan3A = arith.constant 0 : i32
    %scan3A_5 = arith.constant 0 : i32
    %scan3A_6 = arith.constant 10 : i32
    %scan3A_7 = arith.addi %scan3A_5, %scan3A_6 : i32
    %scan3A_8 = arith.constant 1 : i32
    scf.for %scan3A_41 = %scan3A_5 to %scan3A_7 step %scan3A_8  : i32 {
      %mul3A_42 = arith.constant 2048 : i32
      %mul3A_43 = arith.muli %scan3A_41, %mul3A_42 : i32
      %add3A_44 = arith.addi %mul3A_2, %mul3A_43 : i32
      "tpu.region"() ({
        %run_scoped3A_51 = tpu.sem_alloc : memref<!tpu.dma_semaphore, #tpu.memory_space<semaphore_mem>>
        %dma_start3A = tpu.memref_slice %arg2[%add3A_44] : memref<327680xi32, #tpu.memory_space<hbm>> -> memref<2048xi32, #tpu.memory_space<hbm>>
        %dma_start3A_52 = tpu.memref_slice %arg2[%add3A_44] : memref<327680xi32, #tpu.memory_space<hbm>> -> memref<2048xi32, #tpu.memory_space<hbm>>
        tpu.enqueue_dma source(%dma_start3A_52 : memref<2048xi32, #tpu.memory_space<hbm>>) target(%arg7 : memref<2048xi32, #tpu.memory_space<vmem>>) target_semaphore(%run_scoped3A_51 : memref<!tpu.dma_semaphore, #tpu.memory_space<semaphore_mem>>)
        %dma_wait3A = tpu.memref_slice %arg2[%add3A_44] : memref<327680xi32, #tpu.memory_space<hbm>> -> memref<2048xi32, #tpu.memory_space<hbm>>
        %dma_wait3A_53 = tpu.memref_slice %arg2[%add3A_44] : memref<327680xi32, #tpu.memory_space<hbm>> -> memref<2048xi32, #tpu.memory_space<hbm>>
        tpu.wait_dma2 semaphore(%run_scoped3A_51 : memref<!tpu.dma_semaphore, #tpu.memory_space<semaphore_mem>>) src(%dma_wait3A_53 : memref<2048xi32, #tpu.memory_space<hbm>>) dst(%arg7 : memref<2048xi32, #tpu.memory_space<vmem>>)
        tpu.yield
      }) : () -> ()
      %scan3A_45 = arith.constant 0 : i32
      %scan3A_46 = arith.constant 0 : i32
      %scan3A_47 = arith.constant 4 : i32
      %scan3A_48 = arith.addi %scan3A_46, %scan3A_47 : i32
      %scan3A_49 = arith.constant 1 : i32
      scf.for %scan3A_51 = %scan3A_46 to %scan3A_48 step %scan3A_49  : i32 {
        %mul3A_52 = arith.constant 4 : i32
        %mul3A_53 = arith.muli %scan3A_51, %mul3A_52 : i32
        %add3A_54 = arith.constant 0 : i32
        %add3A_55 = arith.addi %mul3A_53, %add3A_54 : i32
        %mul3A_56 = arith.constant 128 : i32
        %mul3A_57 = arith.muli %add3A_55, %mul3A_56 : i32
        %add3A_58 = arith.addi %add3A_44, %mul3A_57 : i32
        %dma_start3A = arith.constant 0 : i32
        %dma_start3A_59 = arith.constant 0 : i32
        %dma_start3A_60 = arith.constant 0 : i32
        %dma_start3A_61 = tpu.memref_slice %arg8[%dma_start3A, %dma_start3A_59, %dma_start3A_60] : memref<4x128x16xf32, #tpu.memory_space<vmem>> -> memref<1x128x16xf32, #tpu.memory_space<vmem>>
        %dma_start3A_62 = tpu.memref_squeeze %dma_start3A_61 : memref<1x128x16xf32, #tpu.memory_space<vmem>> -> memref<128x16xf32, #tpu.memory_space<vmem>>
        %dma_start3A_63 = arith.constant 0 : i32
        %dma_start3A_64 = tpu.memref_slice %arg3[%add3A_58, %dma_start3A_63] : memref<327680x16xf32, #tpu.memory_space<hbm>> -> memref<128x16xf32, #tpu.memory_space<hbm>>
        %dma_start3A_65 = arith.constant 0 : i32
        %dma_start3A_66 = arith.constant 0 : i32
        %dma_start3A_67 = tpu.memref_slice %arg8[%dma_start3A, %dma_start3A_65, %dma_start3A_66] : memref<4x128x16xf32, #tpu.memory_space<vmem>> -> memref<1x128x16xf32, #tpu.memory_space<vmem>>
        %dma_start3A_68 = tpu.memref_squeeze %dma_start3A_67 : memref<1x128x16xf32, #tpu.memory_space<vmem>> -> memref<128x16xf32, #tpu.memory_space<vmem>>
        %dma_start3A_69 = arith.constant 0 : i32
        %dma_start3A_70 = tpu.memref_slice %arg3[%add3A_58, %dma_start3A_69] : memref<327680x16xf32, #tpu.memory_space<hbm>> -> memref<128x16xf32, #tpu.memory_space<hbm>>
        tpu.enqueue_dma source(%dma_start3A_70 : memref<128x16xf32, #tpu.memory_space<hbm>>) target(%dma_start3A_68 : memref<128x16xf32, #tpu.memory_space<vmem>>) target_semaphore(%arg12 : memref<!tpu.dma_semaphore, #tpu.memory_space<semaphore_mem>>)
        %mul3A_71 = arith.constant 4 : i32
        %mul3A_72 = arith.muli %scan3A_51, %mul3A_71 : i32
        %add3A_73 = arith.constant 1 : i32
        %add3A_74 = arith.addi %mul3A_72, %add3A_73 : i32
        %mul3A_75 = arith.constant 128 : i32
        %mul3A_76 = arith.muli %add3A_74, %mul3A_75 : i32
        %add3A_77 = arith.addi %add3A_44, %mul3A_76 : i32
        %dma_start3A_78 = arith.constant 1 : i32
        %dma_start3A_79 = arith.constant 0 : i32
        %dma_start3A_80 = arith.constant 0 : i32
        %dma_start3A_81 = tpu.memref_slice %arg8[%dma_start3A_78, %dma_start3A_79, %dma_start3A_80] : memref<4x128x16xf32, #tpu.memory_space<vmem>> -> memref<1x128x16xf32, #tpu.memory_space<vmem>>
        %dma_start3A_82 = tpu.memref_squeeze %dma_start3A_81 : memref<1x128x16xf32, #tpu.memory_space<vmem>> -> memref<128x16xf32, #tpu.memory_space<vmem>>
        %dma_start3A_83 = arith.constant 0 : i32
        %dma_start3A_84 = tpu.memref_slice %arg3[%add3A_77, %dma_start3A_83] : memref<327680x16xf32, #tpu.memory_space<hbm>> -> memref<128x16xf32, #tpu.memory_space<hbm>>
        %dma_start3A_85 = arith.constant 0 : i32
        %dma_start3A_86 = arith.constant 0 : i32
        %dma_start3A_87 = tpu.memref_slice %arg8[%dma_start3A_78, %dma_start3A_85, %dma_start3A_86] : memref<4x128x16xf32, #tpu.memory_space<vmem>> -> memref<1x128x16xf32, #tpu.memory_space<vmem>>
        %dma_start3A_88 = tpu.memref_squeeze %dma_start3A_87 : memref<1x128x16xf32, #tpu.memory_space<vmem>> -> memref<128x16xf32, #tpu.memory_space<vmem>>
        %dma_start3A_89 = arith.constant 0 : i32
        %dma_start3A_90 = tpu.memref_slice %arg3[%add3A_77, %dma_start3A_89] : memref<327680x16xf32, #tpu.memory_space<hbm>> -> memref<128x16xf32, #tpu.memory_space<hbm>>
        tpu.enqueue_dma source(%dma_start3A_90 : memref<128x16xf32, #tpu.memory_space<hbm>>) target(%dma_start3A_88 : memref<128x16xf32, #tpu.memory_space<vmem>>) target_semaphore(%arg12 : memref<!tpu.dma_semaphore, #tpu.memory_space<semaphore_mem>>)
        %mul3A_91 = arith.constant 4 : i32
        %mul3A_92 = arith.muli %scan3A_51, %mul3A_91 : i32
        %add3A_93 = arith.constant 2 : i32
        %add3A_94 = arith.addi %mul3A_92, %add3A_93 : i32
        %mul3A_95 = arith.constant 128 : i32
        %mul3A_96 = arith.muli %add3A_94, %mul3A_95 : i32
        %add3A_97 = arith.addi %add3A_44, %mul3A_96 : i32
        %dma_start3A_98 = arith.constant 2 : i32
        %dma_start3A_99 = arith.constant 0 : i32
        %dma_start3A_100 = arith.constant 0 : i32
        %dma_start3A_101 = tpu.memref_slice %arg8[%dma_start3A_98, %dma_start3A_99, %dma_start3A_100] : memref<4x128x16xf32, #tpu.memory_space<vmem>> -> memref<1x128x16xf32, #tpu.memory_space<vmem>>
        %dma_start3A_102 = tpu.memref_squeeze %dma_start3A_101 : memref<1x128x16xf32, #tpu.memory_space<vmem>> -> memref<128x16xf32, #tpu.memory_space<vmem>>
        %dma_start3A_103 = arith.constant 0 : i32
        %dma_start3A_104 = tpu.memref_slice %arg3[%add3A_97, %dma_start3A_103] : memref<327680x16xf32, #tpu.memory_space<hbm>> -> memref<128x16xf32, #tpu.memory_space<hbm>>
        %dma_start3A_105 = arith.constant 0 : i32
        %dma_start3A_106 = arith.constant 0 : i32
        %dma_start3A_107 = tpu.memref_slice %arg8[%dma_start3A_98, %dma_start3A_105, %dma_start3A_106] : memref<4x128x16xf32, #tpu.memory_space<vmem>> -> memref<1x128x16xf32, #tpu.memory_space<vmem>>
        %dma_start3A_108 = tpu.memref_squeeze %dma_start3A_107 : memref<1x128x16xf32, #tpu.memory_space<vmem>> -> memref<128x16xf32, #tpu.memory_space<vmem>>
        %dma_start3A_109 = arith.constant 0 : i32
        %dma_start3A_110 = tpu.memref_slice %arg3[%add3A_97, %dma_start3A_109] : memref<327680x16xf32, #tpu.memory_space<hbm>> -> memref<128x16xf32, #tpu.memory_space<hbm>>
        tpu.enqueue_dma source(%dma_start3A_110 : memref<128x16xf32, #tpu.memory_space<hbm>>) target(%dma_start3A_108 : memref<128x16xf32, #tpu.memory_space<vmem>>) target_semaphore(%arg12 : memref<!tpu.dma_semaphore, #tpu.memory_space<semaphore_mem>>)
        %mul3A_111 = arith.constant 4 : i32
        %mul3A_112 = arith.muli %scan3A_51, %mul3A_111 : i32
        %add3A_113 = arith.constant 3 : i32
        %add3A_114 = arith.addi %mul3A_112, %add3A_113 : i32
        %mul3A_115 = arith.constant 128 : i32
        %mul3A_116 = arith.muli %add3A_114, %mul3A_115 : i32
        %add3A_117 = arith.addi %add3A_44, %mul3A_116 : i32
        %dma_start3A_118 = arith.constant 3 : i32
        %dma_start3A_119 = arith.constant 0 : i32
        %dma_start3A_120 = arith.constant 0 : i32
        %dma_start3A_121 = tpu.memref_slice %arg8[%dma_start3A_118, %dma_start3A_119, %dma_start3A_120] : memref<4x128x16xf32, #tpu.memory_space<vmem>> -> memref<1x128x16xf32, #tpu.memory_space<vmem>>
        %dma_start3A_122 = tpu.memref_squeeze %dma_start3A_121 : memref<1x128x16xf32, #tpu.memory_space<vmem>> -> memref<128x16xf32, #tpu.memory_space<vmem>>
        %dma_start3A_123 = arith.constant 0 : i32
        %dma_start3A_124 = tpu.memref_slice %arg3[%add3A_117, %dma_start3A_123] : memref<327680x16xf32, #tpu.memory_space<hbm>> -> memref<128x16xf32, #tpu.memory_space<hbm>>
        %dma_start3A_125 = arith.constant 0 : i32
        %dma_start3A_126 = arith.constant 0 : i32
        %dma_start3A_127 = tpu.memref_slice %arg8[%dma_start3A_118, %dma_start3A_125, %dma_start3A_126] : memref<4x128x16xf32, #tpu.memory_space<vmem>> -> memref<1x128x16xf32, #tpu.memory_space<vmem>>
        %dma_start3A_128 = tpu.memref_squeeze %dma_start3A_127 : memref<1x128x16xf32, #tpu.memory_space<vmem>> -> memref<128x16xf32, #tpu.memory_space<vmem>>
        %dma_start3A_129 = arith.constant 0 : i32
        %dma_start3A_130 = tpu.memref_slice %arg3[%add3A_117, %dma_start3A_129] : memref<327680x16xf32, #tpu.memory_space<hbm>> -> memref<128x16xf32, #tpu.memory_space<hbm>>
        tpu.enqueue_dma source(%dma_start3A_130 : memref<128x16xf32, #tpu.memory_space<hbm>>) target(%dma_start3A_128 : memref<128x16xf32, #tpu.memory_space<vmem>>) target_semaphore(%arg12 : memref<!tpu.dma_semaphore, #tpu.memory_space<semaphore_mem>>)
        %dma_wait3A = arith.constant 0 : i32
        %dma_wait3A_131 = arith.constant 0 : i32
        %dma_wait3A_132 = arith.constant 0 : i32
        %dma_wait3A_133 = tpu.memref_slice %arg8[%dma_wait3A, %dma_wait3A_131, %dma_wait3A_132] : memref<4x128x16xf32, #tpu.memory_space<vmem>> -> memref<1x128x16xf32, #tpu.memory_space<vmem>>
        %dma_wait3A_134 = tpu.memref_squeeze %dma_wait3A_133 : memref<1x128x16xf32, #tpu.memory_space<vmem>> -> memref<128x16xf32, #tpu.memory_space<vmem>>
        %dma_wait3A_135 = arith.constant 0 : i32
        %dma_wait3A_136 = tpu.memref_slice %arg3[%add3A_58, %dma_wait3A_135] : memref<327680x16xf32, #tpu.memory_space<hbm>> -> memref<128x16xf32, #tpu.memory_space<hbm>>
        %dma_wait3A_137 = arith.constant 0 : i32
        %dma_wait3A_138 = arith.constant 0 : i32
        %dma_wait3A_139 = tpu.memref_slice %arg8[%dma_wait3A, %dma_wait3A_137, %dma_wait3A_138] : memref<4x128x16xf32, #tpu.memory_space<vmem>> -> memref<1x128x16xf32, #tpu.memory_space<vmem>>
        %dma_wait3A_140 = tpu.memref_squeeze %dma_wait3A_139 : memref<1x128x16xf32, #tpu.memory_space<vmem>> -> memref<128x16xf32, #tpu.memory_space<vmem>>
        %dma_wait3A_141 = arith.constant 0 : i32
        %dma_wait3A_142 = tpu.memref_slice %arg3[%add3A_58, %dma_wait3A_141] : memref<327680x16xf32, #tpu.memory_space<hbm>> -> memref<128x16xf32, #tpu.memory_space<hbm>>
        tpu.wait_dma2 semaphore(%arg12 : memref<!tpu.dma_semaphore, #tpu.memory_space<semaphore_mem>>) src(%dma_wait3A_142 : memref<128x16xf32, #tpu.memory_space<hbm>>) dst(%dma_wait3A_140 : memref<128x16xf32, #tpu.memory_space<vmem>>)
        %scan3A_143 = arith.constant 0 : i32
        %scan3A_144 = arith.constant 0 : i32
        %scan3A_145 = arith.constant 8 : i32
        %scan3A_146 = arith.addi %scan3A_144, %scan3A_145 : i32
        %scan3A_147 = arith.constant 1 : i32
        scf.for %scan3A_302 = %scan3A_144 to %scan3A_146 step %scan3A_147  : i32 {
          %mul3A_303 = arith.constant 4 : i32
          %mul3A_304 = arith.muli %scan3A_51, %mul3A_303 : i32
          %add3A_305 = arith.constant 0 : i32
          %add3A_306 = arith.addi %mul3A_304, %add3A_305 : i32
          %mul3A_307 = arith.constant 128 : i32
          %mul3A_308 = arith.muli %add3A_306, %mul3A_307 : i32
          %mul3A_309 = arith.constant 16 : i32
          %mul3A_310 = arith.muli %scan3A_302, %mul3A_309 : i32
          %add3A_311 = arith.addi %mul3A_308, %mul3A_310 : i32
          %get3A = arith.index_cast %add3A_311 : i32 to index
          %get3A_312 = tpu.vector_load %arg7[%get3A] {strides = array<i32>} : memref<2048xi32, #tpu.memory_space<vmem>>, vector<16xi32>,
          %get3A_313 = vector.shape_cast %get3A_312 : vector<16xi32> to vector<16xi32>
          %ge3A = vector.broadcast %mul3A_0 : i32 to vector<16xi32>
          %ge3A_314 = arith.cmpi sge, %get3A_313, %ge3A : vector<16xi32>
          %add3A_315 = arith.constant 5120 : i32
          %add3A_316 = arith.addi %mul3A_0, %add3A_315 : i32
          %lt3A = vector.broadcast %add3A_316 : i32 to vector<16xi32>
          %lt3A_317 = arith.cmpi slt, %get3A_313, %lt3A : vector<16xi32>
          %and3A = arith.andi %ge3A_314, %lt3A_317 : vector<16xi1>
          %sub3A = vector.broadcast %mul3A_0 : i32 to vector<16xi32>
          %sub3A_318 = arith.subi %get3A_313, %sub3A : vector<16xi32>
          %jit3A = arith.constant 5120 : i32
          %broadcast_in_dim3A = vector.broadcast %jit3A : i32 to vector<16xi32>
          %select_n3A = arith.select %and3A, %sub3A_318, %broadcast_in_dim3A : vector<16xi1>, vector<16xi32>
          %mul3A_319 = arith.constant 16 : i32
          %mul3A_320 = arith.muli %scan3A_302, %mul3A_319 : i32
          %swap3A = arith.constant 0 : i32
          %swap3A_321 = arith.index_cast %swap3A : i32 to index
          %swap3A_322 = arith.index_cast %mul3A_320 : i32 to index
          %swap3A_323 = tpu.vector_load %arg9[%swap3A_321, %swap3A_322] {strides = array<i32>} : memref<4x128xi32, #tpu.memory_space<vmem>>, vector<1x16xi32>,
          %swap3A_324 = vector.shape_cast %swap3A_323 : vector<1x16xi32> to vector<16xi32>
          %swap3A_325 = vector.shape_cast %select_n3A : vector<16xi32> to vector<1x16xi32>
          tpu.vector_store %arg9[%swap3A_321, %swap3A_322], %swap3A_325 {strides = array<i32>} : memref<4x128xi32, #tpu.memory_space<vmem>>, vector<1x16xi32>,
        }
        %scan3A_148 = arith.constant 8 : i32
        %dma_start3A_149 = arith.constant 0 : i32
        %dma_start3A_150 = arith.constant 0 : i32
        %dma_start3A_151 = arith.constant 0 : i32
        %dma_start3A_152 = arith.constant 0 : i32
        %dma_start3A_153 = tpu.memref_slice %arg8[%dma_start3A_149, %dma_start3A_151, %dma_start3A_152] : memref<4x128x16xf32, #tpu.memory_space<vmem>> -> memref<1x128x16xf32, #tpu.memory_space<vmem>>
        %dma_start3A_154 = tpu.memref_squeeze %dma_start3A_153 : memref<1x128x16xf32, #tpu.memory_space<vmem>> -> memref<128x16xf32, #tpu.memory_space<vmem>>
        %dma_start3A_155 = arith.constant 0 : i32
        %dma_start3A_156 = tpu.memref_slice %arg9[%dma_start3A_150, %dma_start3A_155] : memref<4x128xi32, #tpu.memory_space<vmem>> -> memref<1x128xi32, #tpu.memory_space<vmem>>
        %dma_start3A_157 = tpu.memref_squeeze %dma_start3A_156 : memref<1x128xi32, #tpu.memory_space<vmem>> -> memref<128xi32, #tpu.memory_space<vmem>>
        %dma_start3A_158 = arith.constant 0 : i32
        %dma_start3A_159 = arith.constant 0 : i32
        %dma_start3A_160 = tpu.memref_slice %arg11[%dma_start3A_158, %dma_start3A_159] : memref<5248x16xf32, #tpu.memory_space<vmem_shared>> -> memref<5248x16xf32, #tpu.memory_space<vmem_shared>>
        tpu.enqueue_indirect_dma source(%dma_start3A_154 : memref<128x16xf32, #tpu.memory_space<vmem>>) target(%dma_start3A_160 : memref<5248x16xf32, #tpu.memory_space<vmem_shared>>) offsets(%dma_start3A_157 : memref<128xi32, #tpu.memory_space<vmem>>) semaphore(%arg13 : memref<!tpu.dma_semaphore, #tpu.memory_space<semaphore_mem>>) {add = true}
        %dma_wait3A_161 = arith.constant 1 : i32
        %dma_wait3A_162 = arith.constant 0 : i32
        %dma_wait3A_163 = arith.constant 0 : i32
        %dma_wait3A_164 = tpu.memref_slice %arg8[%dma_wait3A_161, %dma_wait3A_162, %dma_wait3A_163] : memref<4x128x16xf32, #tpu.memory_space<vmem>> -> memref<1x128x16xf32, #tpu.memory_space<vmem>>
        %dma_wait3A_165 = tpu.memref_squeeze %dma_wait3A_164 : memref<1x128x16xf32, #tpu.memory_space<vmem>> -> memref<128x16xf32, #tpu.memory_space<vmem>>
        %dma_wait3A_166 = arith.constant 0 : i32
        %dma_wait3A_167 = tpu.memref_slice %arg3[%add3A_77, %dma_wait3A_166] : memref<327680x16xf32, #tpu.memory_space<hbm>> -> memref<128x16xf32, #tpu.memory_space<hbm>>
        %dma_wait3A_168 = arith.constant 0 : i32
        %dma_wait3A_169 = arith.constant 0 : i32
        %dma_wait3A_170 = tpu.memref_slice %arg8[%dma_wait3A_161, %dma_wait3A_168, %dma_wait3A_169] : memref<4x128x16xf32, #tpu.memory_space<vmem>> -> memref<1x128x16xf32, #tpu.memory_space<vmem>>
        %dma_wait3A_171 = tpu.memref_squeeze %dma_wait3A_170 : memref<1x128x16xf32, #tpu.memory_space<vmem>> -> memref<128x16xf32, #tpu.memory_space<vmem>>
        %dma_wait3A_172 = arith.constant 0 : i32
        %dma_wait3A_173 = tpu.memref_slice %arg3[%add3A_77, %dma_wait3A_172] : memref<327680x16xf32, #tpu.memory_space<hbm>> -> memref<128x16xf32, #tpu.memory_space<hbm>>
        tpu.wait_dma2 semaphore(%arg12 : memref<!tpu.dma_semaphore, #tpu.memory_space<semaphore_mem>>) src(%dma_wait3A_173 : memref<128x16xf32, #tpu.memory_space<hbm>>) dst(%dma_wait3A_171 : memref<128x16xf32, #tpu.memory_space<vmem>>)
        %scan3A_174 = arith.constant 0 : i32
        %scan3A_175 = arith.constant 0 : i32
        %scan3A_176 = arith.constant 8 : i32
        %scan3A_177 = arith.addi %scan3A_175, %scan3A_176 : i32
        %scan3A_178 = arith.constant 1 : i32
        scf.for %scan3A_302 = %scan3A_175 to %scan3A_177 step %scan3A_178  : i32 {
          %mul3A_303 = arith.constant 4 : i32
          %mul3A_304 = arith.muli %scan3A_51, %mul3A_303 : i32
          %add3A_305 = arith.constant 1 : i32
          %add3A_306 = arith.addi %mul3A_304, %add3A_305 : i32
          %mul3A_307 = arith.constant 128 : i32
          %mul3A_308 = arith.muli %add3A_306, %mul3A_307 : i32
          %mul3A_309 = arith.constant 16 : i32
          %mul3A_310 = arith.muli %scan3A_302, %mul3A_309 : i32
          %add3A_311 = arith.addi %mul3A_308, %mul3A_310 : i32
          %get3A = arith.index_cast %add3A_311 : i32 to index
          %get3A_312 = tpu.vector_load %arg7[%get3A] {strides = array<i32>} : memref<2048xi32, #tpu.memory_space<vmem>>, vector<16xi32>,
          %get3A_313 = vector.shape_cast %get3A_312 : vector<16xi32> to vector<16xi32>
          %ge3A = vector.broadcast %mul3A_0 : i32 to vector<16xi32>
          %ge3A_314 = arith.cmpi sge, %get3A_313, %ge3A : vector<16xi32>
          %add3A_315 = arith.constant 5120 : i32
          %add3A_316 = arith.addi %mul3A_0, %add3A_315 : i32
          %lt3A = vector.broadcast %add3A_316 : i32 to vector<16xi32>
          %lt3A_317 = arith.cmpi slt, %get3A_313, %lt3A : vector<16xi32>
          %and3A = arith.andi %ge3A_314, %lt3A_317 : vector<16xi1>
          %sub3A = vector.broadcast %mul3A_0 : i32 to vector<16xi32>
          %sub3A_318 = arith.subi %get3A_313, %sub3A : vector<16xi32>
          %jit3A = arith.constant 5120 : i32
          %broadcast_in_dim3A = vector.broadcast %jit3A : i32 to vector<16xi32>
          %select_n3A = arith.select %and3A, %sub3A_318, %broadcast_in_dim3A : vector<16xi1>, vector<16xi32>
          %mul3A_319 = arith.constant 16 : i32
          %mul3A_320 = arith.muli %scan3A_302, %mul3A_319 : i32
          %swap3A = arith.constant 1 : i32
          %swap3A_321 = arith.index_cast %swap3A : i32 to index
          %swap3A_322 = arith.index_cast %mul3A_320 : i32 to index
          %swap3A_323 = tpu.vector_load %arg9[%swap3A_321, %swap3A_322] {strides = array<i32>} : memref<4x128xi32, #tpu.memory_space<vmem>>, vector<1x16xi32>,
          %swap3A_324 = vector.shape_cast %swap3A_323 : vector<1x16xi32> to vector<16xi32>
          %swap3A_325 = vector.shape_cast %select_n3A : vector<16xi32> to vector<1x16xi32>
          tpu.vector_store %arg9[%swap3A_321, %swap3A_322], %swap3A_325 {strides = array<i32>} : memref<4x128xi32, #tpu.memory_space<vmem>>, vector<1x16xi32>,
        }
        %scan3A_179 = arith.constant 8 : i32
        %dma_start3A_180 = arith.constant 1 : i32
        %dma_start3A_181 = arith.constant 1 : i32
        %dma_start3A_182 = arith.constant 0 : i32
        %dma_start3A_183 = arith.constant 0 : i32
        %dma_start3A_184 = tpu.memref_slice %arg8[%dma_start3A_180, %dma_start3A_182, %dma_start3A_183] : memref<4x128x16xf32, #tpu.memory_space<vmem>> -> memref<1x128x16xf32, #tpu.memory_space<vmem>>
        %dma_start3A_185 = tpu.memref_squeeze %dma_start3A_184 : memref<1x128x16xf32, #tpu.memory_space<vmem>> -> memref<128x16xf32, #tpu.memory_space<vmem>>
        %dma_start3A_186 = arith.constant 0 : i32
        %dma_start3A_187 = tpu.memref_slice %arg9[%dma_start3A_181, %dma_start3A_186] : memref<4x128xi32, #tpu.memory_space<vmem>> -> memref<1x128xi32, #tpu.memory_space<vmem>>
        %dma_start3A_188 = tpu.memref_squeeze %dma_start3A_187 : memref<1x128xi32, #tpu.memory_space<vmem>> -> memref<128xi32, #tpu.memory_space<vmem>>
        %dma_start3A_189 = arith.constant 0 : i32
        %dma_start3A_190 = arith.constant 0 : i32
        %dma_start3A_191 = tpu.memref_slice %arg11[%dma_start3A_189, %dma_start3A_190] : memref<5248x16xf32, #tpu.memory_space<vmem_shared>> -> memref<5248x16xf32, #tpu.memory_space<vmem_shared>>
        tpu.enqueue_indirect_dma source(%dma_start3A_185 : memref<128x16xf32, #tpu.memory_space<vmem>>) target(%dma_start3A_191 : memref<5248x16xf32, #tpu.memory_space<vmem_shared>>) offsets(%dma_start3A_188 : memref<128xi32, #tpu.memory_space<vmem>>) semaphore(%arg13 : memref<!tpu.dma_semaphore, #tpu.memory_space<semaphore_mem>>) {add = true}
        %dma_wait3A_192 = arith.constant 2 : i32
        %dma_wait3A_193 = arith.constant 0 : i32
        %dma_wait3A_194 = arith.constant 0 : i32
        %dma_wait3A_195 = tpu.memref_slice %arg8[%dma_wait3A_192, %dma_wait3A_193, %dma_wait3A_194] : memref<4x128x16xf32, #tpu.memory_space<vmem>> -> memref<1x128x16xf32, #tpu.memory_space<vmem>>
        %dma_wait3A_196 = tpu.memref_squeeze %dma_wait3A_195 : memref<1x128x16xf32, #tpu.memory_space<vmem>> -> memref<128x16xf32, #tpu.memory_space<vmem>>
        %dma_wait3A_197 = arith.constant 0 : i32
        %dma_wait3A_198 = tpu.memref_slice %arg3[%add3A_97, %dma_wait3A_197] : memref<327680x16xf32, #tpu.memory_space<hbm>> -> memref<128x16xf32, #tpu.memory_space<hbm>>
        %dma_wait3A_199 = arith.constant 0 : i32
        %dma_wait3A_200 = arith.constant 0 : i32
        %dma_wait3A_201 = tpu.memref_slice %arg8[%dma_wait3A_192, %dma_wait3A_199, %dma_wait3A_200] : memref<4x128x16xf32, #tpu.memory_space<vmem>> -> memref<1x128x16xf32, #tpu.memory_space<vmem>>
        %dma_wait3A_202 = tpu.memref_squeeze %dma_wait3A_201 : memref<1x128x16xf32, #tpu.memory_space<vmem>> -> memref<128x16xf32, #tpu.memory_space<vmem>>
        %dma_wait3A_203 = arith.constant 0 : i32
        %dma_wait3A_204 = tpu.memref_slice %arg3[%add3A_97, %dma_wait3A_203] : memref<327680x16xf32, #tpu.memory_space<hbm>> -> memref<128x16xf32, #tpu.memory_space<hbm>>
        tpu.wait_dma2 semaphore(%arg12 : memref<!tpu.dma_semaphore, #tpu.memory_space<semaphore_mem>>) src(%dma_wait3A_204 : memref<128x16xf32, #tpu.memory_space<hbm>>) dst(%dma_wait3A_202 : memref<128x16xf32, #tpu.memory_space<vmem>>)
        %scan3A_205 = arith.constant 0 : i32
        %scan3A_206 = arith.constant 0 : i32
        %scan3A_207 = arith.constant 8 : i32
        %scan3A_208 = arith.addi %scan3A_206, %scan3A_207 : i32
        %scan3A_209 = arith.constant 1 : i32
        scf.for %scan3A_302 = %scan3A_206 to %scan3A_208 step %scan3A_209  : i32 {
          %mul3A_303 = arith.constant 4 : i32
          %mul3A_304 = arith.muli %scan3A_51, %mul3A_303 : i32
          %add3A_305 = arith.constant 2 : i32
          %add3A_306 = arith.addi %mul3A_304, %add3A_305 : i32
          %mul3A_307 = arith.constant 128 : i32
          %mul3A_308 = arith.muli %add3A_306, %mul3A_307 : i32
          %mul3A_309 = arith.constant 16 : i32
          %mul3A_310 = arith.muli %scan3A_302, %mul3A_309 : i32
          %add3A_311 = arith.addi %mul3A_308, %mul3A_310 : i32
          %get3A = arith.index_cast %add3A_311 : i32 to index
          %get3A_312 = tpu.vector_load %arg7[%get3A] {strides = array<i32>} : memref<2048xi32, #tpu.memory_space<vmem>>, vector<16xi32>,
          %get3A_313 = vector.shape_cast %get3A_312 : vector<16xi32> to vector<16xi32>
          %ge3A = vector.broadcast %mul3A_0 : i32 to vector<16xi32>
          %ge3A_314 = arith.cmpi sge, %get3A_313, %ge3A : vector<16xi32>
          %add3A_315 = arith.constant 5120 : i32
          %add3A_316 = arith.addi %mul3A_0, %add3A_315 : i32
          %lt3A = vector.broadcast %add3A_316 : i32 to vector<16xi32>
          %lt3A_317 = arith.cmpi slt, %get3A_313, %lt3A : vector<16xi32>
          %and3A = arith.andi %ge3A_314, %lt3A_317 : vector<16xi1>
          %sub3A = vector.broadcast %mul3A_0 : i32 to vector<16xi32>
          %sub3A_318 = arith.subi %get3A_313, %sub3A : vector<16xi32>
          %jit3A = arith.constant 5120 : i32
          %broadcast_in_dim3A = vector.broadcast %jit3A : i32 to vector<16xi32>
          %select_n3A = arith.select %and3A, %sub3A_318, %broadcast_in_dim3A : vector<16xi1>, vector<16xi32>
          %mul3A_319 = arith.constant 16 : i32
          %mul3A_320 = arith.muli %scan3A_302, %mul3A_319 : i32
          %swap3A = arith.constant 2 : i32
          %swap3A_321 = arith.index_cast %swap3A : i32 to index
          %swap3A_322 = arith.index_cast %mul3A_320 : i32 to index
          %swap3A_323 = tpu.vector_load %arg9[%swap3A_321, %swap3A_322] {strides = array<i32>} : memref<4x128xi32, #tpu.memory_space<vmem>>, vector<1x16xi32>,
          %swap3A_324 = vector.shape_cast %swap3A_323 : vector<1x16xi32> to vector<16xi32>
          %swap3A_325 = vector.shape_cast %select_n3A : vector<16xi32> to vector<1x16xi32>
          tpu.vector_store %arg9[%swap3A_321, %swap3A_322], %swap3A_325 {strides = array<i32>} : memref<4x128xi32, #tpu.memory_space<vmem>>, vector<1x16xi32>,
        }
        %scan3A_210 = arith.constant 8 : i32
        %dma_start3A_211 = arith.constant 2 : i32
        %dma_start3A_212 = arith.constant 2 : i32
        %dma_start3A_213 = arith.constant 0 : i32
        %dma_start3A_214 = arith.constant 0 : i32
        %dma_start3A_215 = tpu.memref_slice %arg8[%dma_start3A_211, %dma_start3A_213, %dma_start3A_214] : memref<4x128x16xf32, #tpu.memory_space<vmem>> -> memref<1x128x16xf32, #tpu.memory_space<vmem>>
        %dma_start3A_216 = tpu.memref_squeeze %dma_start3A_215 : memref<1x128x16xf32, #tpu.memory_space<vmem>> -> memref<128x16xf32, #tpu.memory_space<vmem>>
        %dma_start3A_217 = arith.constant 0 : i32
        %dma_start3A_218 = tpu.memref_slice %arg9[%dma_start3A_212, %dma_start3A_217] : memref<4x128xi32, #tpu.memory_space<vmem>> -> memref<1x128xi32, #tpu.memory_space<vmem>>
        %dma_start3A_219 = tpu.memref_squeeze %dma_start3A_218 : memref<1x128xi32, #tpu.memory_space<vmem>> -> memref<128xi32, #tpu.memory_space<vmem>>
        %dma_start3A_220 = arith.constant 0 : i32
        %dma_start3A_221 = arith.constant 0 : i32
        %dma_start3A_222 = tpu.memref_slice %arg11[%dma_start3A_220, %dma_start3A_221] : memref<5248x16xf32, #tpu.memory_space<vmem_shared>> -> memref<5248x16xf32, #tpu.memory_space<vmem_shared>>
        tpu.enqueue_indirect_dma source(%dma_start3A_216 : memref<128x16xf32, #tpu.memory_space<vmem>>) target(%dma_start3A_222 : memref<5248x16xf32, #tpu.memory_space<vmem_shared>>) offsets(%dma_start3A_219 : memref<128xi32, #tpu.memory_space<vmem>>) semaphore(%arg13 : memref<!tpu.dma_semaphore, #tpu.memory_space<semaphore_mem>>) {add = true}
        %dma_wait3A_223 = arith.constant 3 : i32
        %dma_wait3A_224 = arith.constant 0 : i32
        %dma_wait3A_225 = arith.constant 0 : i32
        %dma_wait3A_226 = tpu.memref_slice %arg8[%dma_wait3A_223, %dma_wait3A_224, %dma_wait3A_225] : memref<4x128x16xf32, #tpu.memory_space<vmem>> -> memref<1x128x16xf32, #tpu.memory_space<vmem>>
        %dma_wait3A_227 = tpu.memref_squeeze %dma_wait3A_226 : memref<1x128x16xf32, #tpu.memory_space<vmem>> -> memref<128x16xf32, #tpu.memory_space<vmem>>
        %dma_wait3A_228 = arith.constant 0 : i32
        %dma_wait3A_229 = tpu.memref_slice %arg3[%add3A_117, %dma_wait3A_228] : memref<327680x16xf32, #tpu.memory_space<hbm>> -> memref<128x16xf32, #tpu.memory_space<hbm>>
        %dma_wait3A_230 = arith.constant 0 : i32
        %dma_wait3A_231 = arith.constant 0 : i32
        %dma_wait3A_232 = tpu.memref_slice %arg8[%dma_wait3A_223, %dma_wait3A_230, %dma_wait3A_231] : memref<4x128x16xf32, #tpu.memory_space<vmem>> -> memref<1x128x16xf32, #tpu.memory_space<vmem>>
        %dma_wait3A_233 = tpu.memref_squeeze %dma_wait3A_232 : memref<1x128x16xf32, #tpu.memory_space<vmem>> -> memref<128x16xf32, #tpu.memory_space<vmem>>
        %dma_wait3A_234 = arith.constant 0 : i32
        %dma_wait3A_235 = tpu.memref_slice %arg3[%add3A_117, %dma_wait3A_234] : memref<327680x16xf32, #tpu.memory_space<hbm>> -> memref<128x16xf32, #tpu.memory_space<hbm>>
        tpu.wait_dma2 semaphore(%arg12 : memref<!tpu.dma_semaphore, #tpu.memory_space<semaphore_mem>>) src(%dma_wait3A_235 : memref<128x16xf32, #tpu.memory_space<hbm>>) dst(%dma_wait3A_233 : memref<128x16xf32, #tpu.memory_space<vmem>>)
        %scan3A_236 = arith.constant 0 : i32
        %scan3A_237 = arith.constant 0 : i32
        %scan3A_238 = arith.constant 8 : i32
        %scan3A_239 = arith.addi %scan3A_237, %scan3A_238 : i32
        %scan3A_240 = arith.constant 1 : i32
        scf.for %scan3A_302 = %scan3A_237 to %scan3A_239 step %scan3A_240  : i32 {
          %mul3A_303 = arith.constant 4 : i32
          %mul3A_304 = arith.muli %scan3A_51, %mul3A_303 : i32
          %add3A_305 = arith.constant 3 : i32
          %add3A_306 = arith.addi %mul3A_304, %add3A_305 : i32
          %mul3A_307 = arith.constant 128 : i32
          %mul3A_308 = arith.muli %add3A_306, %mul3A_307 : i32
          %mul3A_309 = arith.constant 16 : i32
          %mul3A_310 = arith.muli %scan3A_302, %mul3A_309 : i32
          %add3A_311 = arith.addi %mul3A_308, %mul3A_310 : i32
          %get3A = arith.index_cast %add3A_311 : i32 to index
          %get3A_312 = tpu.vector_load %arg7[%get3A] {strides = array<i32>} : memref<2048xi32, #tpu.memory_space<vmem>>, vector<16xi32>,
          %get3A_313 = vector.shape_cast %get3A_312 : vector<16xi32> to vector<16xi32>
          %ge3A = vector.broadcast %mul3A_0 : i32 to vector<16xi32>
          %ge3A_314 = arith.cmpi sge, %get3A_313, %ge3A : vector<16xi32>
          %add3A_315 = arith.constant 5120 : i32
          %add3A_316 = arith.addi %mul3A_0, %add3A_315 : i32
          %lt3A = vector.broadcast %add3A_316 : i32 to vector<16xi32>
          %lt3A_317 = arith.cmpi slt, %get3A_313, %lt3A : vector<16xi32>
          %and3A = arith.andi %ge3A_314, %lt3A_317 : vector<16xi1>
          %sub3A = vector.broadcast %mul3A_0 : i32 to vector<16xi32>
          %sub3A_318 = arith.subi %get3A_313, %sub3A : vector<16xi32>
          %jit3A = arith.constant 5120 : i32
          %broadcast_in_dim3A = vector.broadcast %jit3A : i32 to vector<16xi32>
          %select_n3A = arith.select %and3A, %sub3A_318, %broadcast_in_dim3A : vector<16xi1>, vector<16xi32>
          %mul3A_319 = arith.constant 16 : i32
          %mul3A_320 = arith.muli %scan3A_302, %mul3A_319 : i32
          %swap3A = arith.constant 3 : i32
          %swap3A_321 = arith.index_cast %swap3A : i32 to index
          %swap3A_322 = arith.index_cast %mul3A_320 : i32 to index
          %swap3A_323 = tpu.vector_load %arg9[%swap3A_321, %swap3A_322] {strides = array<i32>} : memref<4x128xi32, #tpu.memory_space<vmem>>, vector<1x16xi32>,
          %swap3A_324 = vector.shape_cast %swap3A_323 : vector<1x16xi32> to vector<16xi32>
          %swap3A_325 = vector.shape_cast %select_n3A : vector<16xi32> to vector<1x16xi32>
          tpu.vector_store %arg9[%swap3A_321, %swap3A_322], %swap3A_325 {strides = array<i32>} : memref<4x128xi32, #tpu.memory_space<vmem>>, vector<1x16xi32>,
        }
        %scan3A_241 = arith.constant 8 : i32
        %dma_start3A_242 = arith.constant 3 : i32
        %dma_start3A_243 = arith.constant 3 : i32
        %dma_start3A_244 = arith.constant 0 : i32
        %dma_start3A_245 = arith.constant 0 : i32
        %dma_start3A_246 = tpu.memref_slice %arg8[%dma_start3A_242, %dma_start3A_244, %dma_start3A_245] : memref<4x128x16xf32, #tpu.memory_space<vmem>> -> memref<1x128x16xf32, #tpu.memory_space<vmem>>
        %dma_start3A_247 = tpu.memref_squeeze %dma_start3A_246 : memref<1x128x16xf32, #tpu.memory_space<vmem>> -> memref<128x16xf32, #tpu.memory_space<vmem>>
        %dma_start3A_248 = arith.constant 0 : i32
        %dma_start3A_249 = tpu.memref_slice %arg9[%dma_start3A_243, %dma_start3A_248] : memref<4x128xi32, #tpu.memory_space<vmem>> -> memref<1x128xi32, #tpu.memory_space<vmem>>
        %dma_start3A_250 = tpu.memref_squeeze %dma_start3A_249 : memref<1x128xi32, #tpu.memory_space<vmem>> -> memref<128xi32, #tpu.memory_space<vmem>>
        %dma_start3A_251 = arith.constant 0 : i32
        %dma_start3A_252 = arith.constant 0 : i32
        %dma_start3A_253 = tpu.memref_slice %arg11[%dma_start3A_251, %dma_start3A_252] : memref<5248x16xf32, #tpu.memory_space<vmem_shared>> -> memref<5248x16xf32, #tpu.memory_space<vmem_shared>>
        tpu.enqueue_indirect_dma source(%dma_start3A_247 : memref<128x16xf32, #tpu.memory_space<vmem>>) target(%dma_start3A_253 : memref<5248x16xf32, #tpu.memory_space<vmem_shared>>) offsets(%dma_start3A_250 : memref<128xi32, #tpu.memory_space<vmem>>) semaphore(%arg13 : memref<!tpu.dma_semaphore, #tpu.memory_space<semaphore_mem>>) {add = true}
        %dma_wait3A_254 = arith.constant 0 : i32
        %dma_wait3A_255 = arith.constant 0 : i32
        %dma_wait3A_256 = arith.constant 0 : i32
        %dma_wait3A_257 = arith.constant 0 : i32
        %dma_wait3A_258 = tpu.memref_slice %arg8[%dma_wait3A_254, %dma_wait3A_256, %dma_wait3A_257] : memref<4x128x16xf32, #tpu.memory_space<vmem>> -> memref<1x128x16xf32, #tpu.memory_space<vmem>>
        %dma_wait3A_259 = tpu.memref_squeeze %dma_wait3A_258 : memref<1x128x16xf32, #tpu.memory_space<vmem>> -> memref<128x16xf32, #tpu.memory_space<vmem>>
        %dma_wait3A_260 = arith.constant 0 : i32
        %dma_wait3A_261 = tpu.memref_slice %arg9[%dma_wait3A_255, %dma_wait3A_260] : memref<4x128xi32, #tpu.memory_space<vmem>> -> memref<1x128xi32, #tpu.memory_space<vmem>>
        %dma_wait3A_262 = tpu.memref_squeeze %dma_wait3A_261 : memref<1x128xi32, #tpu.memory_space<vmem>> -> memref<128xi32, #tpu.memory_space<vmem>>
        %dma_wait3A_263 = arith.constant 0 : i32
        %dma_wait3A_264 = arith.constant 0 : i32
        %dma_wait3A_265 = tpu.memref_slice %arg11[%dma_wait3A_263, %dma_wait3A_264] : memref<5248x16xf32, #tpu.memory_space<vmem_shared>> -> memref<5248x16xf32, #tpu.memory_space<vmem_shared>>
        tpu.wait_indirect_dma semaphore(%arg13 : memref<!tpu.dma_semaphore, #tpu.memory_space<semaphore_mem>>) src(%dma_wait3A_259 : memref<128x16xf32, #tpu.memory_space<vmem>>) dst(%dma_wait3A_265 : memref<5248x16xf32, #tpu.memory_space<vmem_shared>>)
        %dma_wait3A_266 = arith.constant 1 : i32
        %dma_wait3A_267 = arith.constant 1 : i32
        %dma_wait3A_268 = arith.constant 0 : i32
        %dma_wait3A_269 = arith.constant 0 : i32
        %dma_wait3A_270 = tpu.memref_slice %arg8[%dma_wait3A_266, %dma_wait3A_268, %dma_wait3A_269] : memref<4x128x16xf32, #tpu.memory_space<vmem>> -> memref<1x128x16xf32, #tpu.memory_space<vmem>>
        %dma_wait3A_271 = tpu.memref_squeeze %dma_wait3A_270 : memref<1x128x16xf32, #tpu.memory_space<vmem>> -> memref<128x16xf32, #tpu.memory_space<vmem>>
        %dma_wait3A_272 = arith.constant 0 : i32
        %dma_wait3A_273 = tpu.memref_slice %arg9[%dma_wait3A_267, %dma_wait3A_272] : memref<4x128xi32, #tpu.memory_space<vmem>> -> memref<1x128xi32, #tpu.memory_space<vmem>>
        %dma_wait3A_274 = tpu.memref_squeeze %dma_wait3A_273 : memref<1x128xi32, #tpu.memory_space<vmem>> -> memref<128xi32, #tpu.memory_space<vmem>>
        %dma_wait3A_275 = arith.constant 0 : i32
        %dma_wait3A_276 = arith.constant 0 : i32
        %dma_wait3A_277 = tpu.memref_slice %arg11[%dma_wait3A_275, %dma_wait3A_276] : memref<5248x16xf32, #tpu.memory_space<vmem_shared>> -> memref<5248x16xf32, #tpu.memory_space<vmem_shared>>
        tpu.wait_indirect_dma semaphore(%arg13 : memref<!tpu.dma_semaphore, #tpu.memory_space<semaphore_mem>>) src(%dma_wait3A_271 : memref<128x16xf32, #tpu.memory_space<vmem>>) dst(%dma_wait3A_277 : memref<5248x16xf32, #tpu.memory_space<vmem_shared>>)
        %dma_wait3A_278 = arith.constant 2 : i32
        %dma_wait3A_279 = arith.constant 2 : i32
        %dma_wait3A_280 = arith.constant 0 : i32
        %dma_wait3A_281 = arith.constant 0 : i32
        %dma_wait3A_282 = tpu.memref_slice %arg8[%dma_wait3A_278, %dma_wait3A_280, %dma_wait3A_281] : memref<4x128x16xf32, #tpu.memory_space<vmem>> -> memref<1x128x16xf32, #tpu.memory_space<vmem>>
        %dma_wait3A_283 = tpu.memref_squeeze %dma_wait3A_282 : memref<1x128x16xf32, #tpu.memory_space<vmem>> -> memref<128x16xf32, #tpu.memory_space<vmem>>
        %dma_wait3A_284 = arith.constant 0 : i32
        %dma_wait3A_285 = tpu.memref_slice %arg9[%dma_wait3A_279, %dma_wait3A_284] : memref<4x128xi32, #tpu.memory_space<vmem>> -> memref<1x128xi32, #tpu.memory_space<vmem>>
        %dma_wait3A_286 = tpu.memref_squeeze %dma_wait3A_285 : memref<1x128xi32, #tpu.memory_space<vmem>> -> memref<128xi32, #tpu.memory_space<vmem>>
        %dma_wait3A_287 = arith.constant 0 : i32
        %dma_wait3A_288 = arith.constant 0 : i32
        %dma_wait3A_289 = tpu.memref_slice %arg11[%dma_wait3A_287, %dma_wait3A_288] : memref<5248x16xf32, #tpu.memory_space<vmem_shared>> -> memref<5248x16xf32, #tpu.memory_space<vmem_shared>>
        tpu.wait_indirect_dma semaphore(%arg13 : memref<!tpu.dma_semaphore, #tpu.memory_space<semaphore_mem>>) src(%dma_wait3A_283 : memref<128x16xf32, #tpu.memory_space<vmem>>) dst(%dma_wait3A_289 : memref<5248x16xf32, #tpu.memory_space<vmem_shared>>)
        %dma_wait3A_290 = arith.constant 3 : i32
        %dma_wait3A_291 = arith.constant 3 : i32
        %dma_wait3A_292 = arith.constant 0 : i32
        %dma_wait3A_293 = arith.constant 0 : i32
        %dma_wait3A_294 = tpu.memref_slice %arg8[%dma_wait3A_290, %dma_wait3A_292, %dma_wait3A_293] : memref<4x128x16xf32, #tpu.memory_space<vmem>> -> memref<1x128x16xf32, #tpu.memory_space<vmem>>
        %dma_wait3A_295 = tpu.memref_squeeze %dma_wait3A_294 : memref<1x128x16xf32, #tpu.memory_space<vmem>> -> memref<128x16xf32, #tpu.memory_space<vmem>>
        %dma_wait3A_296 = arith.constant 0 : i32
        %dma_wait3A_297 = tpu.memref_slice %arg9[%dma_wait3A_291, %dma_wait3A_296] : memref<4x128xi32, #tpu.memory_space<vmem>> -> memref<1x128xi32, #tpu.memory_space<vmem>>
        %dma_wait3A_298 = tpu.memref_squeeze %dma_wait3A_297 : memref<1x128xi32, #tpu.memory_space<vmem>> -> memref<128xi32, #tpu.memory_space<vmem>>
        %dma_wait3A_299 = arith.constant 0 : i32
        %dma_wait3A_300 = arith.constant 0 : i32
        %dma_wait3A_301 = tpu.memref_slice %arg11[%dma_wait3A_299, %dma_wait3A_300] : memref<5248x16xf32, #tpu.memory_space<vmem_shared>> -> memref<5248x16xf32, #tpu.memory_space<vmem_shared>>
        tpu.wait_indirect_dma semaphore(%arg13 : memref<!tpu.dma_semaphore, #tpu.memory_space<semaphore_mem>>) src(%dma_wait3A_295 : memref<128x16xf32, #tpu.memory_space<vmem>>) dst(%dma_wait3A_301 : memref<5248x16xf32, #tpu.memory_space<vmem_shared>>)
      }
      %scan3A_50 = arith.constant 4 : i32
    }
    %scan3A_9 = arith.constant 10 : i32
    %mul3A_10 = arith.constant 320 : i32
    %mul3A_11 = arith.muli %arg1, %mul3A_10 : i32
    %mul3A_12 = arith.constant 5120 : i32
    %mul3A_13 = arith.muli %arg0, %mul3A_12 : i32
    %add3A = arith.addi %mul3A_13, %mul3A_11 : i32
    %iota3A = tpu.iota {dimensions = array<i32: 0>} : vector<16xi32>
    %run_scoped3A = arith.constant 0 : i32
    "tpu.region"() ({
      %run_scoped3A_41 = tpu.sem_alloc : memref<!tpu.dma_semaphore, #tpu.memory_space<semaphore_mem>>
      %dma_start3A = arith.constant 0 : i32
      %dma_start3A_42 = arith.constant 0 : i32
      %dma_start3A_43 = tpu.memref_slice %arg8[%run_scoped3A, %dma_start3A, %dma_start3A_42] : memref<4x128x16xf32, #tpu.memory_space<vmem>> -> memref<1x128x16xf32, #tpu.memory_space<vmem>>
      %dma_start3A_44 = tpu.memref_squeeze %dma_start3A_43 : memref<1x128x16xf32, #tpu.memory_space<vmem>> -> memref<128x16xf32, #tpu.memory_space<vmem>>
      %dma_start3A_45 = arith.constant 0 : i32
      %dma_start3A_46 = arith.constant 0 : i32
      %dma_start3A_47 = tpu.memref_slice %arg8[%run_scoped3A, %dma_start3A_45, %dma_start3A_46] : memref<4x128x16xf32, #tpu.memory_space<vmem>> -> memref<1x128x16xf32, #tpu.memory_space<vmem>>
      %dma_start3A_48 = tpu.memref_squeeze %dma_start3A_47 : memref<1x128x16xf32, #tpu.memory_space<vmem>> -> memref<128x16xf32, #tpu.memory_space<vmem>>
      tpu.enqueue_dma source(%arg5 : memref<128x16xf32, #tpu.memory_space<hbm>>) target(%dma_start3A_48 : memref<128x16xf32, #tpu.memory_space<vmem>>) target_semaphore(%run_scoped3A_41 : memref<!tpu.dma_semaphore, #tpu.memory_space<semaphore_mem>>)
      %dma_wait3A = arith.constant 0 : i32
      %dma_wait3A_49 = arith.constant 0 : i32
      %dma_wait3A_50 = tpu.memref_slice %arg8[%run_scoped3A, %dma_wait3A, %dma_wait3A_49] : memref<4x128x16xf32, #tpu.memory_space<vmem>> -> memref<1x128x16xf32, #tpu.memory_space<vmem>>
      %dma_wait3A_51 = tpu.memref_squeeze %dma_wait3A_50 : memref<1x128x16xf32, #tpu.memory_space<vmem>> -> memref<128x16xf32, #tpu.memory_space<vmem>>
      %dma_wait3A_52 = arith.constant 0 : i32
      %dma_wait3A_53 = arith.constant 0 : i32
      %dma_wait3A_54 = tpu.memref_slice %arg8[%run_scoped3A, %dma_wait3A_52, %dma_wait3A_53] : memref<4x128x16xf32, #tpu.memory_space<vmem>> -> memref<1x128x16xf32, #tpu.memory_space<vmem>>
      %dma_wait3A_55 = tpu.memref_squeeze %dma_wait3A_54 : memref<1x128x16xf32, #tpu.memory_space<vmem>> -> memref<128x16xf32, #tpu.memory_space<vmem>>
      tpu.wait_dma2 semaphore(%run_scoped3A_41 : memref<!tpu.dma_semaphore, #tpu.memory_space<semaphore_mem>>) src(%arg5 : memref<128x16xf32, #tpu.memory_space<hbm>>) dst(%dma_wait3A_55 : memref<128x16xf32, #tpu.memory_space<vmem>>)
      tpu.yield
    }) : () -> ()
    %scan3A_14 = arith.constant 0 : i32
    %scan3A_15 = arith.constant 0 : i32
    %scan3A_16 = arith.constant 8 : i32
    %scan3A_17 = arith.addi %scan3A_15, %scan3A_16 : i32
    %scan3A_18 = arith.constant 1 : i32
    scf.for %scan3A_41 = %scan3A_15 to %scan3A_17 step %scan3A_18  : i32 {
      %mul3A_42 = arith.constant 16 : i32
      %mul3A_43 = arith.muli %scan3A_41, %mul3A_42 : i32
      %add3A_44 = arith.addi %add3A, %mul3A_43 : i32
      %add3A_45 = vector.broadcast %add3A_44 : i32 to vector<16xi32>
      %add3A_46 = arith.addi %add3A_45, %iota3A : vector<16xi32>
      %lt3A = arith.constant 10000 : i32
      %lt3A_47 = vector.broadcast %lt3A : i32 to vector<16xi32>
      %lt3A_48 = arith.cmpi slt, %add3A_46, %lt3A_47 : vector<16xi32>
      %mul3A_49 = arith.constant 16 : i32
      %mul3A_50 = arith.muli %scan3A_41, %mul3A_49 : i32
      %add3A_51 = arith.addi %mul3A_11, %mul3A_50 : i32
      %add3A_52 = vector.broadcast %add3A_51 : i32 to vector<16xi32>
      %add3A_53 = arith.addi %add3A_52, %iota3A : vector<16xi32>
      %jit3A = arith.constant 5120 : i32
      %broadcast_in_dim3A = vector.broadcast %jit3A : i32 to vector<16xi32>
      %select_n3A = arith.select %lt3A_48, %add3A_53, %broadcast_in_dim3A : vector<16xi1>, vector<16xi32>
      %mul3A_54 = arith.constant 16 : i32
      %mul3A_55 = arith.muli %scan3A_41, %mul3A_54 : i32
      %swap3A = arith.constant 0 : i32
      %swap3A_56 = arith.index_cast %swap3A : i32 to index
      %swap3A_57 = arith.index_cast %mul3A_55 : i32 to index
      %swap3A_58 = tpu.vector_load %arg9[%swap3A_56, %swap3A_57] {strides = array<i32>} : memref<4x128xi32, #tpu.memory_space<vmem>>, vector<1x16xi32>,
      %swap3A_59 = vector.shape_cast %swap3A_58 : vector<1x16xi32> to vector<16xi32>
      %swap3A_60 = vector.shape_cast %select_n3A : vector<16xi32> to vector<1x16xi32>
      tpu.vector_store %arg9[%swap3A_56, %swap3A_57], %swap3A_60 {strides = array<i32>} : memref<4x128xi32, #tpu.memory_space<vmem>>, vector<1x16xi32>,
    }
    %scan3A_19 = arith.constant 8 : i32
    %run_scoped3A_20 = arith.constant 0 : i32
    %run_scoped3A_21 = arith.constant 0 : i32
    "tpu.region"() ({
      %run_scoped3A_41 = tpu.sem_alloc : memref<!tpu.dma_semaphore, #tpu.memory_space<semaphore_mem>>
      %dma_start3A = arith.constant 0 : i32
      %dma_start3A_42 = arith.constant 0 : i32
      %dma_start3A_43 = tpu.memref_slice %arg8[%run_scoped3A_20, %dma_start3A, %dma_start3A_42] : memref<4x128x16xf32, #tpu.memory_space<vmem>> -> memref<1x128x16xf32, #tpu.memory_space<vmem>>
      %dma_start3A_44 = tpu.memref_squeeze %dma_start3A_43 : memref<1x128x16xf32, #tpu.memory_space<vmem>> -> memref<128x16xf32, #tpu.memory_space<vmem>>
      %dma_start3A_45 = arith.constant 0 : i32
      %dma_start3A_46 = tpu.memref_slice %arg9[%run_scoped3A_21, %dma_start3A_45] : memref<4x128xi32, #tpu.memory_space<vmem>> -> memref<1x128xi32, #tpu.memory_space<vmem>>
      %dma_start3A_47 = tpu.memref_squeeze %dma_start3A_46 : memref<1x128xi32, #tpu.memory_space<vmem>> -> memref<128xi32, #tpu.memory_space<vmem>>
      %dma_start3A_48 = arith.constant 0 : i32
      %dma_start3A_49 = arith.constant 0 : i32
      %dma_start3A_50 = tpu.memref_slice %arg11[%dma_start3A_48, %dma_start3A_49] : memref<5248x16xf32, #tpu.memory_space<vmem_shared>> -> memref<5248x16xf32, #tpu.memory_space<vmem_shared>>
      tpu.enqueue_indirect_dma source(%dma_start3A_44 : memref<128x16xf32, #tpu.memory_space<vmem>>) target(%dma_start3A_50 : memref<5248x16xf32, #tpu.memory_space<vmem_shared>>) offsets(%dma_start3A_47 : memref<128xi32, #tpu.memory_space<vmem>>) semaphore(%run_scoped3A_41 : memref<!tpu.dma_semaphore, #tpu.memory_space<semaphore_mem>>) {add = true}
      %dma_wait3A = arith.constant 0 : i32
      %dma_wait3A_51 = arith.constant 0 : i32
      %dma_wait3A_52 = tpu.memref_slice %arg8[%run_scoped3A_20, %dma_wait3A, %dma_wait3A_51] : memref<4x128x16xf32, #tpu.memory_space<vmem>> -> memref<1x128x16xf32, #tpu.memory_space<vmem>>
      %dma_wait3A_53 = tpu.memref_squeeze %dma_wait3A_52 : memref<1x128x16xf32, #tpu.memory_space<vmem>> -> memref<128x16xf32, #tpu.memory_space<vmem>>
      %dma_wait3A_54 = arith.constant 0 : i32
      %dma_wait3A_55 = tpu.memref_slice %arg9[%run_scoped3A_21, %dma_wait3A_54] : memref<4x128xi32, #tpu.memory_space<vmem>> -> memref<1x128xi32, #tpu.memory_space<vmem>>
      %dma_wait3A_56 = tpu.memref_squeeze %dma_wait3A_55 : memref<1x128xi32, #tpu.memory_space<vmem>> -> memref<128xi32, #tpu.memory_space<vmem>>
      %dma_wait3A_57 = arith.constant 0 : i32
      %dma_wait3A_58 = arith.constant 0 : i32
      %dma_wait3A_59 = tpu.memref_slice %arg11[%dma_wait3A_57, %dma_wait3A_58] : memref<5248x16xf32, #tpu.memory_space<vmem_shared>> -> memref<5248x16xf32, #tpu.memory_space<vmem_shared>>
      tpu.wait_indirect_dma semaphore(%run_scoped3A_41 : memref<!tpu.dma_semaphore, #tpu.memory_space<semaphore_mem>>) src(%dma_wait3A_53 : memref<128x16xf32, #tpu.memory_space<vmem>>) dst(%dma_wait3A_59 : memref<5248x16xf32, #tpu.memory_space<vmem_shared>>)
      tpu.yield
    }) : () -> ()
    %scan3A_22 = arith.constant 0 : i32
    %scan3A_23 = arith.constant 0 : i32
    %scan3A_24 = arith.constant 8 : i32
    %scan3A_25 = arith.addi %scan3A_23, %scan3A_24 : i32
    %scan3A_26 = arith.constant 1 : i32
    scf.for %scan3A_41 = %scan3A_23 to %scan3A_25 step %scan3A_26  : i32 {
      %add3A_42 = arith.constant 128 : i32
      %add3A_43 = arith.addi %add3A, %add3A_42 : i32
      %mul3A_44 = arith.constant 16 : i32
      %mul3A_45 = arith.muli %scan3A_41, %mul3A_44 : i32
      %add3A_46 = arith.addi %add3A_43, %mul3A_45 : i32
      %add3A_47 = vector.broadcast %add3A_46 : i32 to vector<16xi32>
      %add3A_48 = arith.addi %add3A_47, %iota3A : vector<16xi32>
      %lt3A = arith.constant 10000 : i32
      %lt3A_49 = vector.broadcast %lt3A : i32 to vector<16xi32>
      %lt3A_50 = arith.cmpi slt, %add3A_48, %lt3A_49 : vector<16xi32>
      %add3A_51 = arith.constant 128 : i32
      %add3A_52 = arith.addi %mul3A_11, %add3A_51 : i32
      %mul3A_53 = arith.constant 16 : i32
      %mul3A_54 = arith.muli %scan3A_41, %mul3A_53 : i32
      %add3A_55 = arith.addi %add3A_52, %mul3A_54 : i32
      %add3A_56 = vector.broadcast %add3A_55 : i32 to vector<16xi32>
      %add3A_57 = arith.addi %add3A_56, %iota3A : vector<16xi32>
      %jit3A = arith.constant 5120 : i32
      %broadcast_in_dim3A = vector.broadcast %jit3A : i32 to vector<16xi32>
      %select_n3A = arith.select %lt3A_50, %add3A_57, %broadcast_in_dim3A : vector<16xi1>, vector<16xi32>
      %mul3A_58 = arith.constant 16 : i32
      %mul3A_59 = arith.muli %scan3A_41, %mul3A_58 : i32
      %swap3A = arith.constant 0 : i32
      %swap3A_60 = arith.index_cast %swap3A : i32 to index
      %swap3A_61 = arith.index_cast %mul3A_59 : i32 to index
      %swap3A_62 = tpu.vector_load %arg9[%swap3A_60, %swap3A_61] {strides = array<i32>} : memref<4x128xi32, #tpu.memory_space<vmem>>, vector<1x16xi32>,
      %swap3A_63 = vector.shape_cast %swap3A_62 : vector<1x16xi32> to vector<16xi32>
      %swap3A_64 = vector.shape_cast %select_n3A : vector<16xi32> to vector<1x16xi32>
      tpu.vector_store %arg9[%swap3A_60, %swap3A_61], %swap3A_64 {strides = array<i32>} : memref<4x128xi32, #tpu.memory_space<vmem>>, vector<1x16xi32>,
    }
    %scan3A_27 = arith.constant 8 : i32
    %run_scoped3A_28 = arith.constant 0 : i32
    %run_scoped3A_29 = arith.constant 0 : i32
    "tpu.region"() ({
      %run_scoped3A_41 = tpu.sem_alloc : memref<!tpu.dma_semaphore, #tpu.memory_space<semaphore_mem>>
      %dma_start3A = arith.constant 0 : i32
      %dma_start3A_42 = arith.constant 0 : i32
      %dma_start3A_43 = tpu.memref_slice %arg8[%run_scoped3A_28, %dma_start3A, %dma_start3A_42] : memref<4x128x16xf32, #tpu.memory_space<vmem>> -> memref<1x128x16xf32, #tpu.memory_space<vmem>>
      %dma_start3A_44 = tpu.memref_squeeze %dma_start3A_43 : memref<1x128x16xf32, #tpu.memory_space<vmem>> -> memref<128x16xf32, #tpu.memory_space<vmem>>
      %dma_start3A_45 = arith.constant 0 : i32
      %dma_start3A_46 = tpu.memref_slice %arg9[%run_scoped3A_29, %dma_start3A_45] : memref<4x128xi32, #tpu.memory_space<vmem>> -> memref<1x128xi32, #tpu.memory_space<vmem>>
      %dma_start3A_47 = tpu.memref_squeeze %dma_start3A_46 : memref<1x128xi32, #tpu.memory_space<vmem>> -> memref<128xi32, #tpu.memory_space<vmem>>
      %dma_start3A_48 = arith.constant 0 : i32
      %dma_start3A_49 = arith.constant 0 : i32
      %dma_start3A_50 = tpu.memref_slice %arg11[%dma_start3A_48, %dma_start3A_49] : memref<5248x16xf32, #tpu.memory_space<vmem_shared>> -> memref<5248x16xf32, #tpu.memory_space<vmem_shared>>
      tpu.enqueue_indirect_dma source(%dma_start3A_44 : memref<128x16xf32, #tpu.memory_space<vmem>>) target(%dma_start3A_50 : memref<5248x16xf32, #tpu.memory_space<vmem_shared>>) offsets(%dma_start3A_47 : memref<128xi32, #tpu.memory_space<vmem>>) semaphore(%run_scoped3A_41 : memref<!tpu.dma_semaphore, #tpu.memory_space<semaphore_mem>>) {add = true}
      %dma_wait3A = arith.constant 0 : i32
      %dma_wait3A_51 = arith.constant 0 : i32
      %dma_wait3A_52 = tpu.memref_slice %arg8[%run_scoped3A_28, %dma_wait3A, %dma_wait3A_51] : memref<4x128x16xf32, #tpu.memory_space<vmem>> -> memref<1x128x16xf32, #tpu.memory_space<vmem>>
      %dma_wait3A_53 = tpu.memref_squeeze %dma_wait3A_52 : memref<1x128x16xf32, #tpu.memory_space<vmem>> -> memref<128x16xf32, #tpu.memory_space<vmem>>
      %dma_wait3A_54 = arith.constant 0 : i32
      %dma_wait3A_55 = tpu.memref_slice %arg9[%run_scoped3A_29, %dma_wait3A_54] : memref<4x128xi32, #tpu.memory_space<vmem>> -> memref<1x128xi32, #tpu.memory_space<vmem>>
      %dma_wait3A_56 = tpu.memref_squeeze %dma_wait3A_55 : memref<1x128xi32, #tpu.memory_space<vmem>> -> memref<128xi32, #tpu.memory_space<vmem>>
      %dma_wait3A_57 = arith.constant 0 : i32
      %dma_wait3A_58 = arith.constant 0 : i32
      %dma_wait3A_59 = tpu.memref_slice %arg11[%dma_wait3A_57, %dma_wait3A_58] : memref<5248x16xf32, #tpu.memory_space<vmem_shared>> -> memref<5248x16xf32, #tpu.memory_space<vmem_shared>>
      tpu.wait_indirect_dma semaphore(%run_scoped3A_41 : memref<!tpu.dma_semaphore, #tpu.memory_space<semaphore_mem>>) src(%dma_wait3A_53 : memref<128x16xf32, #tpu.memory_space<vmem>>) dst(%dma_wait3A_59 : memref<5248x16xf32, #tpu.memory_space<vmem_shared>>)
      tpu.yield
    }) : () -> ()
    %scan3A_30 = arith.constant 0 : i32
    %scan3A_31 = arith.constant 0 : i32
    %scan3A_32 = arith.constant 4 : i32
    %scan3A_33 = arith.addi %scan3A_31, %scan3A_32 : i32
    %scan3A_34 = arith.constant 1 : i32
    scf.for %scan3A_41 = %scan3A_31 to %scan3A_33 step %scan3A_34  : i32 {
      %add3A_42 = arith.constant 256 : i32
      %add3A_43 = arith.addi %add3A, %add3A_42 : i32
      %mul3A_44 = arith.constant 16 : i32
      %mul3A_45 = arith.muli %scan3A_41, %mul3A_44 : i32
      %add3A_46 = arith.addi %add3A_43, %mul3A_45 : i32
      %add3A_47 = vector.broadcast %add3A_46 : i32 to vector<16xi32>
      %add3A_48 = arith.addi %add3A_47, %iota3A : vector<16xi32>
      %lt3A = arith.constant 10000 : i32
      %lt3A_49 = vector.broadcast %lt3A : i32 to vector<16xi32>
      %lt3A_50 = arith.cmpi slt, %add3A_48, %lt3A_49 : vector<16xi32>
      %add3A_51 = arith.constant 256 : i32
      %add3A_52 = arith.addi %mul3A_11, %add3A_51 : i32
      %mul3A_53 = arith.constant 16 : i32
      %mul3A_54 = arith.muli %scan3A_41, %mul3A_53 : i32
      %add3A_55 = arith.addi %add3A_52, %mul3A_54 : i32
      %add3A_56 = vector.broadcast %add3A_55 : i32 to vector<16xi32>
      %add3A_57 = arith.addi %add3A_56, %iota3A : vector<16xi32>
      %jit3A = arith.constant 5120 : i32
      %broadcast_in_dim3A = vector.broadcast %jit3A : i32 to vector<16xi32>
      %select_n3A = arith.select %lt3A_50, %add3A_57, %broadcast_in_dim3A : vector<16xi1>, vector<16xi32>
      %mul3A_58 = arith.constant 16 : i32
      %mul3A_59 = arith.muli %scan3A_41, %mul3A_58 : i32
      %swap3A = arith.index_cast %mul3A_59 : i32 to index
      %swap3A_60 = tpu.vector_load %arg10[%swap3A] {strides = array<i32>} : memref<64xi32, #tpu.memory_space<vmem>>, vector<16xi32>,
      %swap3A_61 = vector.shape_cast %swap3A_60 : vector<16xi32> to vector<16xi32>
      %swap3A_62 = vector.shape_cast %select_n3A : vector<16xi32> to vector<16xi32>
      tpu.vector_store %arg10[%swap3A], %swap3A_62 {strides = array<i32>} : memref<64xi32, #tpu.memory_space<vmem>>, vector<16xi32>,
    }
    %scan3A_35 = arith.constant 4 : i32
    %run_scoped3A_36 = arith.constant 0 : i32
    "tpu.region"() ({
      %run_scoped3A_41 = tpu.sem_alloc : memref<!tpu.dma_semaphore, #tpu.memory_space<semaphore_mem>>
      %dma_start3A = arith.constant 0 : i32
      %dma_start3A_42 = arith.constant 0 : i32
      %dma_start3A_43 = tpu.memref_slice %arg8[%run_scoped3A_36, %dma_start3A, %dma_start3A_42] : memref<4x128x16xf32, #tpu.memory_space<vmem>> -> memref<1x64x16xf32, #tpu.memory_space<vmem>>
      %dma_start3A_44 = tpu.memref_squeeze %dma_start3A_43 : memref<1x64x16xf32, #tpu.memory_space<vmem>> -> memref<64x16xf32, #tpu.memory_space<vmem>>
      %dma_start3A_45 = arith.constant 0 : i32
      %dma_start3A_46 = arith.constant 0 : i32
      %dma_start3A_47 = tpu.memref_slice %arg11[%dma_start3A_45, %dma_start3A_46] : memref<5248x16xf32, #tpu.memory_space<vmem_shared>> -> memref<5248x16xf32, #tpu.memory_space<vmem_shared>>
      tpu.enqueue_indirect_dma source(%dma_start3A_44 : memref<64x16xf32, #tpu.memory_space<vmem>>) target(%dma_start3A_47 : memref<5248x16xf32, #tpu.memory_space<vmem_shared>>) offsets(%arg10 : memref<64xi32, #tpu.memory_space<vmem>>) semaphore(%run_scoped3A_41 : memref<!tpu.dma_semaphore, #tpu.memory_space<semaphore_mem>>) {add = true}
      %dma_wait3A = arith.constant 0 : i32
      %dma_wait3A_48 = arith.constant 0 : i32
      %dma_wait3A_49 = tpu.memref_slice %arg8[%run_scoped3A_36, %dma_wait3A, %dma_wait3A_48] : memref<4x128x16xf32, #tpu.memory_space<vmem>> -> memref<1x64x16xf32, #tpu.memory_space<vmem>>
      %dma_wait3A_50 = tpu.memref_squeeze %dma_wait3A_49 : memref<1x64x16xf32, #tpu.memory_space<vmem>> -> memref<64x16xf32, #tpu.memory_space<vmem>>
      %dma_wait3A_51 = arith.constant 0 : i32
      %dma_wait3A_52 = arith.constant 0 : i32
      %dma_wait3A_53 = tpu.memref_slice %arg11[%dma_wait3A_51, %dma_wait3A_52] : memref<5248x16xf32, #tpu.memory_space<vmem_shared>> -> memref<5248x16xf32, #tpu.memory_space<vmem_shared>>
      tpu.wait_indirect_dma semaphore(%run_scoped3A_41 : memref<!tpu.dma_semaphore, #tpu.memory_space<semaphore_mem>>) src(%dma_wait3A_50 : memref<64x16xf32, #tpu.memory_space<vmem>>) dst(%dma_wait3A_53 : memref<5248x16xf32, #tpu.memory_space<vmem_shared>>)
      tpu.yield
    }) : () -> ()
    %barrier3A_37 = arith.constant 0 : index
    tpu.barrier barrier_id(%barrier3A_37)
    %mul3A_38 = arith.constant 5120 : i32
    %mul3A_39 = arith.muli %arg0, %mul3A_38 : i32
    %add3A_40 = arith.addi %mul3A_39, %mul3A_11 : i32
    "tpu.region"() ({
      %run_scoped3A_41 = tpu.sem_alloc : memref<!tpu.dma_semaphore, #tpu.memory_space<semaphore_mem>>
      %dma_start3A = arith.constant 0 : i32
      %dma_start3A_42 = tpu.memref_slice %arg6[%add3A_40, %dma_start3A] : memref<10240x16xf32, #tpu.memory_space<hbm>> -> memref<320x16xf32, #tpu.memory_space<hbm>>
      %dma_start3A_43 = arith.constant 0 : i32
      %dma_start3A_44 = tpu.memref_slice %arg11[%mul3A_11, %dma_start3A_43] : memref<5248x16xf32, #tpu.memory_space<vmem_shared>> -> memref<320x16xf32, #tpu.memory_space<vmem_shared>>
      tpu.enqueue_dma source(%dma_start3A_44 : memref<320x16xf32, #tpu.memory_space<vmem_shared>>) target(%dma_start3A_42 : memref<320x16xf32, #tpu.memory_space<hbm>>) target_semaphore(%run_scoped3A_41 : memref<!tpu.dma_semaphore, #tpu.memory_space<semaphore_mem>>)
      %dma_wait3A = arith.constant 0 : i32
      %dma_wait3A_45 = tpu.memref_slice %arg6[%add3A_40, %dma_wait3A] : memref<10240x16xf32, #tpu.memory_space<hbm>> -> memref<320x16xf32, #tpu.memory_space<hbm>>
      %dma_wait3A_46 = arith.constant 0 : i32
      %dma_wait3A_47 = tpu.memref_slice %arg11[%mul3A_11, %dma_wait3A_46] : memref<5248x16xf32, #tpu.memory_space<vmem_shared>> -> memref<320x16xf32, #tpu.memory_space<vmem_shared>>
      tpu.wait_dma2 semaphore(%run_scoped3A_41 : memref<!tpu.dma_semaphore, #tpu.memory_space<semaphore_mem>>) src(%dma_wait3A_47 : memref<320x16xf32, #tpu.memory_space<vmem_shared>>) dst(%dma_wait3A_45 : memref<320x16xf32, #tpu.memory_space<hbm>>)
      tpu.yield
    }) : () -> ()
    return
  }
}

module attributes {stable_mosaic.version = 14 : i64} {
  func.func @_prep_body(%arg0: i32, %arg1: memref<1024x128xf32, #tpu.memory_space<vmem>>, %arg2: memref<1024x16xf32, #tpu.memory_space<vmem>>, %arg3: memref<128x256xf32, #tpu.memory_space<vmem>>, %arg4: memref<16x256xf32, #tpu.memory_space<vmem>>, %arg5: memref<1x256xf32, #tpu.memory_space<vmem>>, %arg6: memref<1024x256xbf16, #tpu.memory_space<vmem>>, %arg7: memref<1024x256xf32, #tpu.memory_space<vmem>>) attributes {dimension_semantics = [#tpu.dimension_semantics<arbitrary>], iteration_bounds = array<i64: 10>, scalar_prefetch = 0 : i64, scratch_operands = 0 : i64, tpu.core_type = #tpu.core_type<tc>, window_params = [{transform_indices = @transform_0, window_bounds = array<i64: 1024, 128>}, {transform_indices = @transform_1, window_bounds = array<i64: 1024, 16>}, {pipeline_mode = #tpu.pipeline_mode<synchronous>, transform_indices = @transform_2, window_bounds = array<i64: 128, 256>}, {pipeline_mode = #tpu.pipeline_mode<synchronous>, transform_indices = @transform_3, window_bounds = array<i64: 16, 256>}, {pipeline_mode = #tpu.pipeline_mode<synchronous>, transform_indices = @transform_4, window_bounds = array<i64: 1, 256>}, {transform_indices = @transform_5, window_bounds = array<i64: 1024, 256>}, {transform_indices = @transform_6, window_bounds = array<i64: 1024, 256>}]} {
    %get3A = arith.constant 0 : index
    %get3A_0 = arith.constant 0 : index
    %get3A_1 = vector.load %arg1[%get3A, %get3A_0] : memref<1024x128xf32, #tpu.memory_space<vmem>>, vector<1024x128xf32>
    %get3A_2 = arith.constant 0 : index
    %get3A_3 = arith.constant 0 : index
    %get3A_4 = vector.load %arg3[%get3A_2, %get3A_3] : memref<128x256xf32, #tpu.memory_space<vmem>>, vector<128x256xf32>
    %dot_general3A = arith.constant dense<0.000000e+00> : vector<1024x256xf32>
    %dot_general3A_5 = tpu.matmul %get3A_1, %get3A_4, %dot_general3A {dimension_numbers = #tpu.dot_dimension_numbers<[1], [0], [0], [1], [0, 0, 1, 1], [], []>, transpose_lhs_hint = false} : vector<1024x128xf32>, vector<128x256xf32>, vector<1024x256xf32> -> vector<1024x256xf32>
    %get3A_6 = arith.constant 0 : index
    %get3A_7 = arith.constant 0 : index
    %get3A_8 = vector.load %arg2[%get3A_6, %get3A_7] : memref<1024x16xf32, #tpu.memory_space<vmem>>, vector<1024x16xf32>
    %get3A_9 = arith.constant 0 : index
    %get3A_10 = arith.constant 0 : index
    %get3A_11 = vector.load %arg4[%get3A_9, %get3A_10] : memref<16x256xf32, #tpu.memory_space<vmem>>, vector<16x256xf32>
    %dot_general3A_12 = arith.constant dense<0.000000e+00> : vector<1024x256xf32>
    %dot_general3A_13 = tpu.matmul %get3A_8, %get3A_11, %dot_general3A_12 {dimension_numbers = #tpu.dot_dimension_numbers<[1], [0], [0], [1], [0, 0, 1, 1], [], []>, transpose_lhs_hint = false} : vector<1024x16xf32>, vector<16x256xf32>, vector<1024x256xf32> -> vector<1024x256xf32>
    %add3A = arith.addf %dot_general3A_5, %dot_general3A_13 : vector<1024x256xf32>
    %get3A_14 = arith.constant 0 : index
    %get3A_15 = arith.constant 0 : index
    %get3A_16 = vector.load %arg5[%get3A_14, %get3A_15] : memref<1x256xf32, #tpu.memory_space<vmem>>, vector<1x256xf32>
    %add3A_17 = vector.broadcast %get3A_16 : vector<1x256xf32> to vector<1024x256xf32>
    %add3A_18 = arith.addf %add3A, %add3A_17 : vector<1024x256xf32>
    %convert_element_type3A = arith.truncf %dot_general3A_5 : vector<1024x256xf32> to vector<1024x256xbf16>
    %swap3A = arith.constant 0 : index
    %swap3A_19 = arith.constant 0 : index
    %swap3A_20 = vector.load %arg6[%swap3A, %swap3A_19] : memref<1024x256xbf16, #tpu.memory_space<vmem>>, vector<1024x256xbf16>
    tpu.vector_store %arg6[%swap3A, %swap3A_19], %convert_element_type3A {strides = array<i32>} : memref<1024x256xbf16, #tpu.memory_space<vmem>>, vector<1024x256xbf16>,
    %swap3A_21 = arith.constant 0 : index
    %swap3A_22 = arith.constant 0 : index
    %swap3A_23 = vector.load %arg7[%swap3A_21, %swap3A_22] : memref<1024x256xf32, #tpu.memory_space<vmem>>, vector<1024x256xf32>
    tpu.vector_store %arg7[%swap3A_21, %swap3A_22], %add3A_18 {strides = array<i32>} : memref<1024x256xf32, #tpu.memory_space<vmem>>, vector<1024x256xf32>,
    return
  }
  func.func @transform_0(%arg0: i32) -> (i32, i32) {
    %c0_i32 = arith.constant 0 : i32
    %c0_i32_0 = arith.constant 0 : i32
    return %arg0, %c0_i32 : i32, i32
  }
  func.func @transform_1(%arg0: i32) -> (i32, i32) {
    %c0_i32 = arith.constant 0 : i32
    %c0_i32_0 = arith.constant 0 : i32
    return %arg0, %c0_i32 : i32, i32
  }
  func.func @transform_2(%arg0: i32) -> (i32, i32) {
    %c0_i32 = arith.constant 0 : i32
    %c0_i32_0 = arith.constant 0 : i32
    %c0_i32_1 = arith.constant 0 : i32
    return %c0_i32, %c0_i32_0 : i32, i32
  }
  func.func @transform_3(%arg0: i32) -> (i32, i32) {
    %c0_i32 = arith.constant 0 : i32
    %c0_i32_0 = arith.constant 0 : i32
    %c0_i32_1 = arith.constant 0 : i32
    return %c0_i32, %c0_i32_0 : i32, i32
  }
  func.func @transform_4(%arg0: i32) -> (i32, i32) {
    %c0_i32 = arith.constant 0 : i32
    %c0_i32_0 = arith.constant 0 : i32
    %c0_i32_1 = arith.constant 0 : i32
    return %c0_i32, %c0_i32_0 : i32, i32
  }
  func.func @transform_5(%arg0: i32) -> (i32, i32) {
    %c0_i32 = arith.constant 0 : i32
    %c0_i32_0 = arith.constant 0 : i32
    return %arg0, %c0_i32 : i32, i32
  }
  func.func @transform_6(%arg0: i32) -> (i32, i32) {
    %c0_i32 = arith.constant 0 : i32
    %c0_i32_0 = arith.constant 0 : i32
    return %arg0, %c0_i32 : i32, i32
  }
}

module attributes {stable_mosaic.version = 14 : i64} {
  func.func @_agg_body(%arg0: i32, %arg1: i32, %arg2: memref<1024x512xbf16, #tpu.memory_space<vmem>>, %arg3: memref<512x256xbf16, #tpu.memory_space<vmem>>, %arg4: memref<1024x256xf32, #tpu.memory_space<vmem>>, %arg5: memref<1x256xf32, #tpu.memory_space<vmem>>, %arg6: memref<1x256xf32, #tpu.memory_space<vmem>>, %arg7: memref<1024x256xf32, #tpu.memory_space<vmem>>, %arg8: memref<1024x256xf32, #tpu.memory_space<vmem>>) attributes {dimension_semantics = [#tpu.dimension_semantics<parallel>, #tpu.dimension_semantics<arbitrary>], iteration_bounds = array<i64: 10, 20>, scalar_prefetch = 0 : i64, scratch_operands = 1 : i64, tpu.core_type = #tpu.core_type<tc>, window_params = [{transform_indices = @transform_0, window_bounds = array<i64: 1024, 512>}, {transform_indices = @transform_1, window_bounds = array<i64: 512, 256>}, {transform_indices = @transform_2, window_bounds = array<i64: 1024, 256>}, {pipeline_mode = #tpu.pipeline_mode<synchronous>, transform_indices = @transform_3, window_bounds = array<i64: 1, 256>}, {pipeline_mode = #tpu.pipeline_mode<synchronous>, transform_indices = @transform_4, window_bounds = array<i64: 1, 256>}, {transform_indices = @transform_5, window_bounds = array<i64: 1024, 256>}]} {
    %eq3A = arith.constant 0 : i32
    %eq3A_0 = arith.cmpi eq, %arg1, %eq3A : i32
    %convert_element_type3A = arith.extui %eq3A_0 : i1 to i32
    %cond3A = arith.constant 0 : i32
    %cond3A_1 = arith.cmpi ne, %convert_element_type3A, %cond3A : i32
    scf.if %cond3A_1 {
      %broadcast_in_dim3A = arith.constant 0.000000e+00 : f32
      %broadcast_in_dim3A_18 = vector.broadcast %broadcast_in_dim3A : f32 to vector<1024x256xf32>
      %swap3A_19 = arith.constant 0 : index
      %swap3A_20 = arith.constant 0 : index
      %swap3A_21 = vector.load %arg8[%swap3A_19, %swap3A_20] : memref<1024x256xf32, #tpu.memory_space<vmem>>, vector<1024x256xf32>
      tpu.vector_store %arg8[%swap3A_19, %swap3A_20], %broadcast_in_dim3A_18 {strides = array<i32>} : memref<1024x256xf32, #tpu.memory_space<vmem>>, vector<1024x256xf32>,
    } else {
    }
    %get3A = arith.constant 0 : index
    %get3A_2 = arith.constant 0 : index
    %get3A_3 = vector.load %arg8[%get3A, %get3A_2] : memref<1024x256xf32, #tpu.memory_space<vmem>>, vector<1024x256xf32>
    %get3A_4 = arith.constant 0 : index
    %get3A_5 = arith.constant 0 : index
    %get3A_6 = vector.load %arg2[%get3A_4, %get3A_5] : memref<1024x512xbf16, #tpu.memory_space<vmem>>, vector<1024x512xbf16>
    %get3A_7 = arith.constant 0 : index
    %get3A_8 = arith.constant 0 : index
    %get3A_9 = vector.load %arg3[%get3A_7, %get3A_8] : memref<512x256xbf16, #tpu.memory_space<vmem>>, vector<512x256xbf16>
    %dot_general3A = arith.constant dense<0.000000e+00> : vector<1024x256xf32>
    %dot_general3A_10 = tpu.matmul %get3A_6, %get3A_9, %dot_general3A {dimension_numbers = #tpu.dot_dimension_numbers<[1], [0], [0], [1], [0, 0, 1, 1], [], []>, transpose_lhs_hint = false} : vector<1024x512xbf16>, vector<512x256xbf16>, vector<1024x256xf32> -> vector<1024x256xf32>
    %add3A = arith.addf %get3A_3, %dot_general3A_10 : vector<1024x256xf32>
    %swap3A = arith.constant 0 : index
    %swap3A_11 = arith.constant 0 : index
    %swap3A_12 = vector.load %arg8[%swap3A, %swap3A_11] : memref<1024x256xf32, #tpu.memory_space<vmem>>, vector<1024x256xf32>
    tpu.vector_store %arg8[%swap3A, %swap3A_11], %add3A {strides = array<i32>} : memref<1024x256xf32, #tpu.memory_space<vmem>>, vector<1024x256xf32>,
    %eq3A_13 = arith.constant 19 : i32
    %eq3A_14 = arith.cmpi eq, %arg1, %eq3A_13 : i32
    %convert_element_type3A_15 = arith.extui %eq3A_14 : i1 to i32
    %cond3A_16 = arith.constant 0 : i32
    %cond3A_17 = arith.cmpi ne, %convert_element_type3A_15, %cond3A_16 : i32
    scf.if %cond3A_17 {
      %get3A_18 = arith.constant 0 : index
      %get3A_19 = arith.constant 0 : index
      %get3A_20 = vector.load %arg8[%get3A_18, %get3A_19] : memref<1024x256xf32, #tpu.memory_space<vmem>>, vector<1024x256xf32>
      %get3A_21 = arith.constant 0 : index
      %get3A_22 = arith.constant 0 : index
      %get3A_23 = vector.load %arg4[%get3A_21, %get3A_22] : memref<1024x256xf32, #tpu.memory_space<vmem>>, vector<1024x256xf32>
      %add3A_24 = arith.addf %get3A_20, %get3A_23 : vector<1024x256xf32>
      %max3A = arith.constant 0.000000e+00 : f32
      %max3A_25 = vector.broadcast %max3A : f32 to vector<1024x256xf32>
      %max3A_26 = arith.maximumf %add3A_24, %max3A_25 : vector<1024x256xf32>
      %reduce_sum3A = arith.constant dense<0.000000e+00> : vector<1024xf32>
      %reduce_sum3A_27 = vector.multi_reduction <add>, %max3A_26, %reduce_sum3A [1] : vector<1024x256xf32> to vector<1024xf32>
      %broadcast_in_dim3A = vector.shape_cast %reduce_sum3A_27 : vector<1024xf32> to vector<1024x1xf32>
      %div3A = arith.constant 2.560000e+02 : f32
      %div3A_28 = vector.broadcast %div3A : f32 to vector<1024x1xf32>
      %div3A_29 = arith.divf %broadcast_in_dim3A, %div3A_28 : vector<1024x1xf32>
      %sub3A = vector.broadcast %div3A_29 : vector<1024x1xf32> to vector<1024x256xf32>
      %sub3A_30 = arith.subf %max3A_26, %sub3A : vector<1024x256xf32>
      %square3A = arith.mulf %sub3A_30, %sub3A_30 : vector<1024x256xf32>
      %reduce_sum3A_31 = arith.constant dense<0.000000e+00> : vector<1024xf32>
      %reduce_sum3A_32 = vector.multi_reduction <add>, %square3A, %reduce_sum3A_31 [1] : vector<1024x256xf32> to vector<1024xf32>
      %broadcast_in_dim3A_33 = vector.shape_cast %reduce_sum3A_32 : vector<1024xf32> to vector<1024x1xf32>
      %div3A_34 = arith.constant 2.560000e+02 : f32
      %div3A_35 = vector.broadcast %div3A_34 : f32 to vector<1024x1xf32>
      %div3A_36 = arith.divf %broadcast_in_dim3A_33, %div3A_35 : vector<1024x1xf32>
      %sub3A_37 = vector.broadcast %div3A_29 : vector<1024x1xf32> to vector<1024x256xf32>
      %sub3A_38 = arith.subf %max3A_26, %sub3A_37 : vector<1024x256xf32>
      %add3A_39 = arith.constant 9.99999974E-6 : f32
      %add3A_40 = vector.broadcast %add3A_39 : f32 to vector<1024x1xf32>
      %add3A_41 = arith.addf %div3A_36, %add3A_40 : vector<1024x1xf32>
      %rsqrt3A = math.rsqrt %add3A_41 : vector<1024x1xf32>
      %mul3A = vector.broadcast %rsqrt3A : vector<1024x1xf32> to vector<1024x256xf32>
      %mul3A_42 = arith.mulf %sub3A_38, %mul3A : vector<1024x256xf32>
      %get3A_43 = arith.constant 0 : index
      %get3A_44 = arith.constant 0 : index
      %get3A_45 = vector.load %arg5[%get3A_43, %get3A_44] : memref<1x256xf32, #tpu.memory_space<vmem>>, vector<1x256xf32>
      %mul3A_46 = vector.broadcast %get3A_45 : vector<1x256xf32> to vector<1024x256xf32>
      %mul3A_47 = arith.mulf %mul3A_42, %mul3A_46 : vector<1024x256xf32>
      %get3A_48 = arith.constant 0 : index
      %get3A_49 = arith.constant 0 : index
      %get3A_50 = vector.load %arg6[%get3A_48, %get3A_49] : memref<1x256xf32, #tpu.memory_space<vmem>>, vector<1x256xf32>
      %add3A_51 = vector.broadcast %get3A_50 : vector<1x256xf32> to vector<1024x256xf32>
      %add3A_52 = arith.addf %mul3A_47, %add3A_51 : vector<1024x256xf32>
      %max3A_53 = arith.constant 0.000000e+00 : f32
      %max3A_54 = vector.broadcast %max3A_53 : f32 to vector<1024x256xf32>
      %max3A_55 = arith.maximumf %add3A_52, %max3A_54 : vector<1024x256xf32>
      %swap3A_56 = arith.constant 0 : index
      %swap3A_57 = arith.constant 0 : index
      %swap3A_58 = vector.load %arg7[%swap3A_56, %swap3A_57] : memref<1024x256xf32, #tpu.memory_space<vmem>>, vector<1024x256xf32>
      tpu.vector_store %arg7[%swap3A_56, %swap3A_57], %max3A_55 {strides = array<i32>} : memref<1024x256xf32, #tpu.memory_space<vmem>>, vector<1024x256xf32>,
    } else {
    }
    return
  }
  func.func @transform_0(%arg0: i32, %arg1: i32) -> (i32, i32) {
    %c0_i32 = arith.constant 0 : i32
    return %arg0, %arg1 : i32, i32
  }
  func.func @transform_1(%arg0: i32, %arg1: i32) -> (i32, i32) {
    %c0_i32 = arith.constant 0 : i32
    %c0_i32_0 = arith.constant 0 : i32
    return %arg1, %c0_i32 : i32, i32
  }
  func.func @transform_2(%arg0: i32, %arg1: i32) -> (i32, i32) {
    %c0_i32 = arith.constant 0 : i32
    %c0_i32_0 = arith.constant 0 : i32
    return %arg0, %c0_i32 : i32, i32
  }
  func.func @transform_3(%arg0: i32, %arg1: i32) -> (i32, i32) {
    %c0_i32 = arith.constant 0 : i32
    %c0_i32_0 = arith.constant 0 : i32
    %c0_i32_1 = arith.constant 0 : i32
    return %c0_i32, %c0_i32_0 : i32, i32
  }
  func.func @transform_4(%arg0: i32, %arg1: i32) -> (i32, i32) {
    %c0_i32 = arith.constant 0 : i32
    %c0_i32_0 = arith.constant 0 : i32
    %c0_i32_1 = arith.constant 0 : i32
    return %c0_i32, %c0_i32_0 : i32, i32
  }
  func.func @transform_5(%arg0: i32, %arg1: i32) -> (i32, i32) {
    %c0_i32 = arith.constant 0 : i32
    %c0_i32_0 = arith.constant 0 : i32
    return %arg0, %c0_i32 : i32, i32
  }
}

module attributes {stable_mosaic.version = 14 : i64} {
  func.func @_prep_body(%arg0: i32, %arg1: memref<1024x256xf32, #tpu.memory_space<vmem>>, %arg2: memref<1024x16xf32, #tpu.memory_space<vmem>>, %arg3: memref<256x256xf32, #tpu.memory_space<vmem>>, %arg4: memref<16x256xf32, #tpu.memory_space<vmem>>, %arg5: memref<1x256xf32, #tpu.memory_space<vmem>>, %arg6: memref<1024x256xbf16, #tpu.memory_space<vmem>>, %arg7: memref<1024x256xf32, #tpu.memory_space<vmem>>) attributes {dimension_semantics = [#tpu.dimension_semantics<arbitrary>], iteration_bounds = array<i64: 10>, scalar_prefetch = 0 : i64, scratch_operands = 0 : i64, tpu.core_type = #tpu.core_type<tc>, window_params = [{transform_indices = @transform_0, window_bounds = array<i64: 1024, 256>}, {transform_indices = @transform_1, window_bounds = array<i64: 1024, 16>}, {pipeline_mode = #tpu.pipeline_mode<synchronous>, transform_indices = @transform_2, window_bounds = array<i64: 256, 256>}, {pipeline_mode = #tpu.pipeline_mode<synchronous>, transform_indices = @transform_3, window_bounds = array<i64: 16, 256>}, {pipeline_mode = #tpu.pipeline_mode<synchronous>, transform_indices = @transform_4, window_bounds = array<i64: 1, 256>}, {transform_indices = @transform_5, window_bounds = array<i64: 1024, 256>}, {transform_indices = @transform_6, window_bounds = array<i64: 1024, 256>}]} {
    %get3A = arith.constant 0 : index
    %get3A_0 = arith.constant 0 : index
    %get3A_1 = vector.load %arg1[%get3A, %get3A_0] : memref<1024x256xf32, #tpu.memory_space<vmem>>, vector<1024x256xf32>
    %get3A_2 = arith.constant 0 : index
    %get3A_3 = arith.constant 0 : index
    %get3A_4 = vector.load %arg3[%get3A_2, %get3A_3] : memref<256x256xf32, #tpu.memory_space<vmem>>, vector<256x256xf32>
    %dot_general3A = arith.constant dense<0.000000e+00> : vector<1024x256xf32>
    %dot_general3A_5 = tpu.matmul %get3A_1, %get3A_4, %dot_general3A {dimension_numbers = #tpu.dot_dimension_numbers<[1], [0], [0], [1], [0, 0, 1, 1], [], []>, transpose_lhs_hint = false} : vector<1024x256xf32>, vector<256x256xf32>, vector<1024x256xf32> -> vector<1024x256xf32>
    %get3A_6 = arith.constant 0 : index
    %get3A_7 = arith.constant 0 : index
    %get3A_8 = vector.load %arg2[%get3A_6, %get3A_7] : memref<1024x16xf32, #tpu.memory_space<vmem>>, vector<1024x16xf32>
    %get3A_9 = arith.constant 0 : index
    %get3A_10 = arith.constant 0 : index
    %get3A_11 = vector.load %arg4[%get3A_9, %get3A_10] : memref<16x256xf32, #tpu.memory_space<vmem>>, vector<16x256xf32>
    %dot_general3A_12 = arith.constant dense<0.000000e+00> : vector<1024x256xf32>
    %dot_general3A_13 = tpu.matmul %get3A_8, %get3A_11, %dot_general3A_12 {dimension_numbers = #tpu.dot_dimension_numbers<[1], [0], [0], [1], [0, 0, 1, 1], [], []>, transpose_lhs_hint = false} : vector<1024x16xf32>, vector<16x256xf32>, vector<1024x256xf32> -> vector<1024x256xf32>
    %add3A = arith.addf %dot_general3A_5, %dot_general3A_13 : vector<1024x256xf32>
    %get3A_14 = arith.constant 0 : index
    %get3A_15 = arith.constant 0 : index
    %get3A_16 = vector.load %arg5[%get3A_14, %get3A_15] : memref<1x256xf32, #tpu.memory_space<vmem>>, vector<1x256xf32>
    %add3A_17 = vector.broadcast %get3A_16 : vector<1x256xf32> to vector<1024x256xf32>
    %add3A_18 = arith.addf %add3A, %add3A_17 : vector<1024x256xf32>
    %convert_element_type3A = arith.truncf %dot_general3A_5 : vector<1024x256xf32> to vector<1024x256xbf16>
    %swap3A = arith.constant 0 : index
    %swap3A_19 = arith.constant 0 : index
    %swap3A_20 = vector.load %arg6[%swap3A, %swap3A_19] : memref<1024x256xbf16, #tpu.memory_space<vmem>>, vector<1024x256xbf16>
    tpu.vector_store %arg6[%swap3A, %swap3A_19], %convert_element_type3A {strides = array<i32>} : memref<1024x256xbf16, #tpu.memory_space<vmem>>, vector<1024x256xbf16>,
    %swap3A_21 = arith.constant 0 : index
    %swap3A_22 = arith.constant 0 : index
    %swap3A_23 = vector.load %arg7[%swap3A_21, %swap3A_22] : memref<1024x256xf32, #tpu.memory_space<vmem>>, vector<1024x256xf32>
    tpu.vector_store %arg7[%swap3A_21, %swap3A_22], %add3A_18 {strides = array<i32>} : memref<1024x256xf32, #tpu.memory_space<vmem>>, vector<1024x256xf32>,
    return
  }
  func.func @transform_0(%arg0: i32) -> (i32, i32) {
    %c0_i32 = arith.constant 0 : i32
    %c0_i32_0 = arith.constant 0 : i32
    return %arg0, %c0_i32 : i32, i32
  }
  func.func @transform_1(%arg0: i32) -> (i32, i32) {
    %c0_i32 = arith.constant 0 : i32
    %c0_i32_0 = arith.constant 0 : i32
    return %arg0, %c0_i32 : i32, i32
  }
  func.func @transform_2(%arg0: i32) -> (i32, i32) {
    %c0_i32 = arith.constant 0 : i32
    %c0_i32_0 = arith.constant 0 : i32
    %c0_i32_1 = arith.constant 0 : i32
    return %c0_i32, %c0_i32_0 : i32, i32
  }
  func.func @transform_3(%arg0: i32) -> (i32, i32) {
    %c0_i32 = arith.constant 0 : i32
    %c0_i32_0 = arith.constant 0 : i32
    %c0_i32_1 = arith.constant 0 : i32
    return %c0_i32, %c0_i32_0 : i32, i32
  }
  func.func @transform_4(%arg0: i32) -> (i32, i32) {
    %c0_i32 = arith.constant 0 : i32
    %c0_i32_0 = arith.constant 0 : i32
    %c0_i32_1 = arith.constant 0 : i32
    return %c0_i32, %c0_i32_0 : i32, i32
  }
  func.func @transform_5(%arg0: i32) -> (i32, i32) {
    %c0_i32 = arith.constant 0 : i32
    %c0_i32_0 = arith.constant 0 : i32
    return %arg0, %c0_i32 : i32, i32
  }
  func.func @transform_6(%arg0: i32) -> (i32, i32) {
    %c0_i32 = arith.constant 0 : i32
    %c0_i32_0 = arith.constant 0 : i32
    return %arg0, %c0_i32 : i32, i32
  }
}

module attributes {stable_mosaic.version = 14 : i64} {
  func.func @_prep_body(%arg0: i32, %arg1: memref<1024x256xf32, #tpu.memory_space<vmem>>, %arg2: memref<1024x16xf32, #tpu.memory_space<vmem>>, %arg3: memref<256x128xf32, #tpu.memory_space<vmem>>, %arg4: memref<16x128xf32, #tpu.memory_space<vmem>>, %arg5: memref<1x128xf32, #tpu.memory_space<vmem>>, %arg6: memref<1024x128xbf16, #tpu.memory_space<vmem>>, %arg7: memref<1024x128xf32, #tpu.memory_space<vmem>>) attributes {dimension_semantics = [#tpu.dimension_semantics<arbitrary>], iteration_bounds = array<i64: 10>, scalar_prefetch = 0 : i64, scratch_operands = 0 : i64, tpu.core_type = #tpu.core_type<tc>, window_params = [{transform_indices = @transform_0, window_bounds = array<i64: 1024, 256>}, {transform_indices = @transform_1, window_bounds = array<i64: 1024, 16>}, {pipeline_mode = #tpu.pipeline_mode<synchronous>, transform_indices = @transform_2, window_bounds = array<i64: 256, 128>}, {pipeline_mode = #tpu.pipeline_mode<synchronous>, transform_indices = @transform_3, window_bounds = array<i64: 16, 128>}, {pipeline_mode = #tpu.pipeline_mode<synchronous>, transform_indices = @transform_4, window_bounds = array<i64: 1, 128>}, {transform_indices = @transform_5, window_bounds = array<i64: 1024, 128>}, {transform_indices = @transform_6, window_bounds = array<i64: 1024, 128>}]} {
    %get3A = arith.constant 0 : index
    %get3A_0 = arith.constant 0 : index
    %get3A_1 = vector.load %arg1[%get3A, %get3A_0] : memref<1024x256xf32, #tpu.memory_space<vmem>>, vector<1024x256xf32>
    %get3A_2 = arith.constant 0 : index
    %get3A_3 = arith.constant 0 : index
    %get3A_4 = vector.load %arg3[%get3A_2, %get3A_3] : memref<256x128xf32, #tpu.memory_space<vmem>>, vector<256x128xf32>
    %dot_general3A = arith.constant dense<0.000000e+00> : vector<1024x128xf32>
    %dot_general3A_5 = tpu.matmul %get3A_1, %get3A_4, %dot_general3A {dimension_numbers = #tpu.dot_dimension_numbers<[1], [0], [0], [1], [0, 0, 1, 1], [], []>, transpose_lhs_hint = false} : vector<1024x256xf32>, vector<256x128xf32>, vector<1024x128xf32> -> vector<1024x128xf32>
    %get3A_6 = arith.constant 0 : index
    %get3A_7 = arith.constant 0 : index
    %get3A_8 = vector.load %arg2[%get3A_6, %get3A_7] : memref<1024x16xf32, #tpu.memory_space<vmem>>, vector<1024x16xf32>
    %get3A_9 = arith.constant 0 : index
    %get3A_10 = arith.constant 0 : index
    %get3A_11 = vector.load %arg4[%get3A_9, %get3A_10] : memref<16x128xf32, #tpu.memory_space<vmem>>, vector<16x128xf32>
    %dot_general3A_12 = arith.constant dense<0.000000e+00> : vector<1024x128xf32>
    %dot_general3A_13 = tpu.matmul %get3A_8, %get3A_11, %dot_general3A_12 {dimension_numbers = #tpu.dot_dimension_numbers<[1], [0], [0], [1], [0, 0, 1, 1], [], []>, transpose_lhs_hint = false} : vector<1024x16xf32>, vector<16x128xf32>, vector<1024x128xf32> -> vector<1024x128xf32>
    %add3A = arith.addf %dot_general3A_5, %dot_general3A_13 : vector<1024x128xf32>
    %get3A_14 = arith.constant 0 : index
    %get3A_15 = arith.constant 0 : index
    %get3A_16 = vector.load %arg5[%get3A_14, %get3A_15] : memref<1x128xf32, #tpu.memory_space<vmem>>, vector<1x128xf32>
    %add3A_17 = vector.broadcast %get3A_16 : vector<1x128xf32> to vector<1024x128xf32>
    %add3A_18 = arith.addf %add3A, %add3A_17 : vector<1024x128xf32>
    %convert_element_type3A = arith.truncf %dot_general3A_5 : vector<1024x128xf32> to vector<1024x128xbf16>
    %swap3A = arith.constant 0 : index
    %swap3A_19 = arith.constant 0 : index
    %swap3A_20 = vector.load %arg6[%swap3A, %swap3A_19] : memref<1024x128xbf16, #tpu.memory_space<vmem>>, vector<1024x128xbf16>
    tpu.vector_store %arg6[%swap3A, %swap3A_19], %convert_element_type3A {strides = array<i32>} : memref<1024x128xbf16, #tpu.memory_space<vmem>>, vector<1024x128xbf16>,
    %swap3A_21 = arith.constant 0 : index
    %swap3A_22 = arith.constant 0 : index
    %swap3A_23 = vector.load %arg7[%swap3A_21, %swap3A_22] : memref<1024x128xf32, #tpu.memory_space<vmem>>, vector<1024x128xf32>
    tpu.vector_store %arg7[%swap3A_21, %swap3A_22], %add3A_18 {strides = array<i32>} : memref<1024x128xf32, #tpu.memory_space<vmem>>, vector<1024x128xf32>,
    return
  }
  func.func @transform_0(%arg0: i32) -> (i32, i32) {
    %c0_i32 = arith.constant 0 : i32
    %c0_i32_0 = arith.constant 0 : i32
    return %arg0, %c0_i32 : i32, i32
  }
  func.func @transform_1(%arg0: i32) -> (i32, i32) {
    %c0_i32 = arith.constant 0 : i32
    %c0_i32_0 = arith.constant 0 : i32
    return %arg0, %c0_i32 : i32, i32
  }
  func.func @transform_2(%arg0: i32) -> (i32, i32) {
    %c0_i32 = arith.constant 0 : i32
    %c0_i32_0 = arith.constant 0 : i32
    %c0_i32_1 = arith.constant 0 : i32
    return %c0_i32, %c0_i32_0 : i32, i32
  }
  func.func @transform_3(%arg0: i32) -> (i32, i32) {
    %c0_i32 = arith.constant 0 : i32
    %c0_i32_0 = arith.constant 0 : i32
    %c0_i32_1 = arith.constant 0 : i32
    return %c0_i32, %c0_i32_0 : i32, i32
  }
  func.func @transform_4(%arg0: i32) -> (i32, i32) {
    %c0_i32 = arith.constant 0 : i32
    %c0_i32_0 = arith.constant 0 : i32
    %c0_i32_1 = arith.constant 0 : i32
    return %c0_i32, %c0_i32_0 : i32, i32
  }
  func.func @transform_5(%arg0: i32) -> (i32, i32) {
    %c0_i32 = arith.constant 0 : i32
    %c0_i32_0 = arith.constant 0 : i32
    return %arg0, %c0_i32 : i32, i32
  }
  func.func @transform_6(%arg0: i32) -> (i32, i32) {
    %c0_i32 = arith.constant 0 : i32
    %c0_i32_0 = arith.constant 0 : i32
    return %arg0, %c0_i32 : i32, i32
  }
}

module attributes {stable_mosaic.version = 14 : i64} {
  func.func @_agg_body(%arg0: i32, %arg1: i32, %arg2: memref<1024x512xbf16, #tpu.memory_space<vmem>>, %arg3: memref<512x128xbf16, #tpu.memory_space<vmem>>, %arg4: memref<1024x128xf32, #tpu.memory_space<vmem>>, %arg5: memref<1x128xf32, #tpu.memory_space<vmem>>, %arg6: memref<1x128xf32, #tpu.memory_space<vmem>>, %arg7: memref<1024x128xf32, #tpu.memory_space<vmem>>, %arg8: memref<1024x128xf32, #tpu.memory_space<vmem>>) attributes {dimension_semantics = [#tpu.dimension_semantics<parallel>, #tpu.dimension_semantics<arbitrary>], iteration_bounds = array<i64: 10, 20>, scalar_prefetch = 0 : i64, scratch_operands = 1 : i64, tpu.core_type = #tpu.core_type<tc>, window_params = [{transform_indices = @transform_0, window_bounds = array<i64: 1024, 512>}, {transform_indices = @transform_1, window_bounds = array<i64: 512, 128>}, {transform_indices = @transform_2, window_bounds = array<i64: 1024, 128>}, {pipeline_mode = #tpu.pipeline_mode<synchronous>, transform_indices = @transform_3, window_bounds = array<i64: 1, 128>}, {pipeline_mode = #tpu.pipeline_mode<synchronous>, transform_indices = @transform_4, window_bounds = array<i64: 1, 128>}, {transform_indices = @transform_5, window_bounds = array<i64: 1024, 128>}]} {
    %eq3A = arith.constant 0 : i32
    %eq3A_0 = arith.cmpi eq, %arg1, %eq3A : i32
    %convert_element_type3A = arith.extui %eq3A_0 : i1 to i32
    %cond3A = arith.constant 0 : i32
    %cond3A_1 = arith.cmpi ne, %convert_element_type3A, %cond3A : i32
    scf.if %cond3A_1 {
      %broadcast_in_dim3A = arith.constant 0.000000e+00 : f32
      %broadcast_in_dim3A_18 = vector.broadcast %broadcast_in_dim3A : f32 to vector<1024x128xf32>
      %swap3A_19 = arith.constant 0 : index
      %swap3A_20 = arith.constant 0 : index
      %swap3A_21 = vector.load %arg8[%swap3A_19, %swap3A_20] : memref<1024x128xf32, #tpu.memory_space<vmem>>, vector<1024x128xf32>
      tpu.vector_store %arg8[%swap3A_19, %swap3A_20], %broadcast_in_dim3A_18 {strides = array<i32>} : memref<1024x128xf32, #tpu.memory_space<vmem>>, vector<1024x128xf32>,
    } else {
    }
    %get3A = arith.constant 0 : index
    %get3A_2 = arith.constant 0 : index
    %get3A_3 = vector.load %arg8[%get3A, %get3A_2] : memref<1024x128xf32, #tpu.memory_space<vmem>>, vector<1024x128xf32>
    %get3A_4 = arith.constant 0 : index
    %get3A_5 = arith.constant 0 : index
    %get3A_6 = vector.load %arg2[%get3A_4, %get3A_5] : memref<1024x512xbf16, #tpu.memory_space<vmem>>, vector<1024x512xbf16>
    %get3A_7 = arith.constant 0 : index
    %get3A_8 = arith.constant 0 : index
    %get3A_9 = vector.load %arg3[%get3A_7, %get3A_8] : memref<512x128xbf16, #tpu.memory_space<vmem>>, vector<512x128xbf16>
    %dot_general3A = arith.constant dense<0.000000e+00> : vector<1024x128xf32>
    %dot_general3A_10 = tpu.matmul %get3A_6, %get3A_9, %dot_general3A {dimension_numbers = #tpu.dot_dimension_numbers<[1], [0], [0], [1], [0, 0, 1, 1], [], []>, transpose_lhs_hint = false} : vector<1024x512xbf16>, vector<512x128xbf16>, vector<1024x128xf32> -> vector<1024x128xf32>
    %add3A = arith.addf %get3A_3, %dot_general3A_10 : vector<1024x128xf32>
    %swap3A = arith.constant 0 : index
    %swap3A_11 = arith.constant 0 : index
    %swap3A_12 = vector.load %arg8[%swap3A, %swap3A_11] : memref<1024x128xf32, #tpu.memory_space<vmem>>, vector<1024x128xf32>
    tpu.vector_store %arg8[%swap3A, %swap3A_11], %add3A {strides = array<i32>} : memref<1024x128xf32, #tpu.memory_space<vmem>>, vector<1024x128xf32>,
    %eq3A_13 = arith.constant 19 : i32
    %eq3A_14 = arith.cmpi eq, %arg1, %eq3A_13 : i32
    %convert_element_type3A_15 = arith.extui %eq3A_14 : i1 to i32
    %cond3A_16 = arith.constant 0 : i32
    %cond3A_17 = arith.cmpi ne, %convert_element_type3A_15, %cond3A_16 : i32
    scf.if %cond3A_17 {
      %get3A_18 = arith.constant 0 : index
      %get3A_19 = arith.constant 0 : index
      %get3A_20 = vector.load %arg8[%get3A_18, %get3A_19] : memref<1024x128xf32, #tpu.memory_space<vmem>>, vector<1024x128xf32>
      %get3A_21 = arith.constant 0 : index
      %get3A_22 = arith.constant 0 : index
      %get3A_23 = vector.load %arg4[%get3A_21, %get3A_22] : memref<1024x128xf32, #tpu.memory_space<vmem>>, vector<1024x128xf32>
      %add3A_24 = arith.addf %get3A_20, %get3A_23 : vector<1024x128xf32>
      %max3A = arith.constant 0.000000e+00 : f32
      %max3A_25 = vector.broadcast %max3A : f32 to vector<1024x128xf32>
      %max3A_26 = arith.maximumf %add3A_24, %max3A_25 : vector<1024x128xf32>
      %reduce_sum3A = arith.constant dense<0.000000e+00> : vector<1024xf32>
      %reduce_sum3A_27 = vector.multi_reduction <add>, %max3A_26, %reduce_sum3A [1] : vector<1024x128xf32> to vector<1024xf32>
      %broadcast_in_dim3A = vector.shape_cast %reduce_sum3A_27 : vector<1024xf32> to vector<1024x1xf32>
      %div3A = arith.constant 1.280000e+02 : f32
      %div3A_28 = vector.broadcast %div3A : f32 to vector<1024x1xf32>
      %div3A_29 = arith.divf %broadcast_in_dim3A, %div3A_28 : vector<1024x1xf32>
      %sub3A = vector.broadcast %div3A_29 : vector<1024x1xf32> to vector<1024x128xf32>
      %sub3A_30 = arith.subf %max3A_26, %sub3A : vector<1024x128xf32>
      %square3A = arith.mulf %sub3A_30, %sub3A_30 : vector<1024x128xf32>
      %reduce_sum3A_31 = arith.constant dense<0.000000e+00> : vector<1024xf32>
      %reduce_sum3A_32 = vector.multi_reduction <add>, %square3A, %reduce_sum3A_31 [1] : vector<1024x128xf32> to vector<1024xf32>
      %broadcast_in_dim3A_33 = vector.shape_cast %reduce_sum3A_32 : vector<1024xf32> to vector<1024x1xf32>
      %div3A_34 = arith.constant 1.280000e+02 : f32
      %div3A_35 = vector.broadcast %div3A_34 : f32 to vector<1024x1xf32>
      %div3A_36 = arith.divf %broadcast_in_dim3A_33, %div3A_35 : vector<1024x1xf32>
      %sub3A_37 = vector.broadcast %div3A_29 : vector<1024x1xf32> to vector<1024x128xf32>
      %sub3A_38 = arith.subf %max3A_26, %sub3A_37 : vector<1024x128xf32>
      %add3A_39 = arith.constant 9.99999974E-6 : f32
      %add3A_40 = vector.broadcast %add3A_39 : f32 to vector<1024x1xf32>
      %add3A_41 = arith.addf %div3A_36, %add3A_40 : vector<1024x1xf32>
      %rsqrt3A = math.rsqrt %add3A_41 : vector<1024x1xf32>
      %mul3A = vector.broadcast %rsqrt3A : vector<1024x1xf32> to vector<1024x128xf32>
      %mul3A_42 = arith.mulf %sub3A_38, %mul3A : vector<1024x128xf32>
      %get3A_43 = arith.constant 0 : index
      %get3A_44 = arith.constant 0 : index
      %get3A_45 = vector.load %arg5[%get3A_43, %get3A_44] : memref<1x128xf32, #tpu.memory_space<vmem>>, vector<1x128xf32>
      %mul3A_46 = vector.broadcast %get3A_45 : vector<1x128xf32> to vector<1024x128xf32>
      %mul3A_47 = arith.mulf %mul3A_42, %mul3A_46 : vector<1024x128xf32>
      %get3A_48 = arith.constant 0 : index
      %get3A_49 = arith.constant 0 : index
      %get3A_50 = vector.load %arg6[%get3A_48, %get3A_49] : memref<1x128xf32, #tpu.memory_space<vmem>>, vector<1x128xf32>
      %add3A_51 = vector.broadcast %get3A_50 : vector<1x128xf32> to vector<1024x128xf32>
      %add3A_52 = arith.addf %mul3A_47, %add3A_51 : vector<1024x128xf32>
      %max3A_53 = arith.constant 0.000000e+00 : f32
      %max3A_54 = vector.broadcast %max3A_53 : f32 to vector<1024x128xf32>
      %max3A_55 = arith.maximumf %add3A_52, %max3A_54 : vector<1024x128xf32>
      %swap3A_56 = arith.constant 0 : index
      %swap3A_57 = arith.constant 0 : index
      %swap3A_58 = vector.load %arg7[%swap3A_56, %swap3A_57] : memref<1024x128xf32, #tpu.memory_space<vmem>>, vector<1024x128xf32>
      tpu.vector_store %arg7[%swap3A_56, %swap3A_57], %max3A_55 {strides = array<i32>} : memref<1024x128xf32, #tpu.memory_space<vmem>>, vector<1024x128xf32>,
    } else {
    }
    return
  }
  func.func @transform_0(%arg0: i32, %arg1: i32) -> (i32, i32) {
    %c0_i32 = arith.constant 0 : i32
    return %arg0, %arg1 : i32, i32
  }
  func.func @transform_1(%arg0: i32, %arg1: i32) -> (i32, i32) {
    %c0_i32 = arith.constant 0 : i32
    %c0_i32_0 = arith.constant 0 : i32
    return %arg1, %c0_i32 : i32, i32
  }
  func.func @transform_2(%arg0: i32, %arg1: i32) -> (i32, i32) {
    %c0_i32 = arith.constant 0 : i32
    %c0_i32_0 = arith.constant 0 : i32
    return %arg0, %c0_i32 : i32, i32
  }
  func.func @transform_3(%arg0: i32, %arg1: i32) -> (i32, i32) {
    %c0_i32 = arith.constant 0 : i32
    %c0_i32_0 = arith.constant 0 : i32
    %c0_i32_1 = arith.constant 0 : i32
    return %c0_i32, %c0_i32_0 : i32, i32
  }
  func.func @transform_4(%arg0: i32, %arg1: i32) -> (i32, i32) {
    %c0_i32 = arith.constant 0 : i32
    %c0_i32_0 = arith.constant 0 : i32
    %c0_i32_1 = arith.constant 0 : i32
    return %c0_i32, %c0_i32_0 : i32, i32
  }
  func.func @transform_5(%arg0: i32, %arg1: i32) -> (i32, i32) {
    %c0_i32 = arith.constant 0 : i32
    %c0_i32_0 = arith.constant 0 : i32
    return %arg0, %c0_i32 : i32, i32
  }
}

</mosaic_0001>

<sc_bundles>
// kernel: kernel.9.cloned.1.call-start
scs
__scs_entry_jumppad:
0x0: {  	(pc) =	sbr.rel $0x88, $3  }
0x1: {  	(tag) =	ssettag $0x0;
	lr =	simm.s32 $0x1  }
0x2: {  	[smem:$0x3F92] =	sst lr;
	_ =	strace $0xD0000000  }
0x3: {  	_ = 	snop  }
0x4: {  	_ = 	snop  }
0x5: {  	_ = 	snop  }
0x6: {  	_ = 	snop  }
0x7: {  	_ = 	snop  }
__scs_overlays_trampoline_lowered:
0x8: {  	[smem:$0x3FA1] =	sst s0  }
0x9: {  	[smem:$0x3FA2] =	sst s1  }
0xa: {  	[smem:$0x3FA3] =	sst s2  }
0xb: {  	[smem:$0x3FA4] =	sst s3  }
0xc: {  	[smem:$0x3FA5] =	sst s4  }
0xd: {  	[smem:$0x3FA6] =	sst s5  }
0xe: {  	[smem:$0x3FA7] =	sst s6  }
0xf: {  	[smem:$0x3FA8] =	sst s7  }
0x10: {  	[smem:$0x3FA9] =	sst s8  }
0x11: {  	[smem:$0x3FAA] =	sst s9;
	s0 =	simm.s32 @!p0 $0x0  }
0x12: {  	s1 =	sld [smem:$0x3F90];
	s0 =	simm.s32 @p0 $0x1  }
0x13: {  	[smem:$0x3FAB] =	sst s0;
	s0 =	simm.s32 @!p1 $0x0  }
0x14: {  	s2 =	sld [smem:$0x3F8F];
	s0 =	simm.s32 @p1 $0x1  }
0x15: {  	[smem:$0x3FAC] =	sst s0;
	s0 =	simm.s32 @!p2 $0x0  }
0x16: {  	s3 =	sld [smem:$0x3FDB];
	s0 =	simm.s32 @p2 $0x1  }
0x17: {  	s4 =	simm.s32 $0x1BF5;
	[smem:$0x3FAE] =	sst s0  }
0x18: {  	s0 =	sld [smem:$0x3F91];
	_ =	swait.ge [sflag:s4], $0x0  }
0x19: {  	s7 =	sld [smem:$0x3F92]  }
0x1a: {  	s8 =	sadd.s32 $0xFFFFE003, lr  }
0x1b: {  	s9 =	sadd.s32 $0xFFFFFEF7, lr;
	s5 =	simm.s32 $0xFFFFFFFF;
	p2 =	slt.u32 s8, $0xFFFFF086  }
0x1c: {  	p1 =	slt.u32 s9, $0xF7A;
	s5 =	simm.s32 @!p2 $0x0  }
0x1d: {  	s5 =	simm.s32 @p1 $0x1;
	p0 =	seq.s32 s7, s2  }
0x1e: {  	s7 =	smul.u32 @!p0 $0xF7A, s2;
	p2 =	seq.s32 @!p0 s5, $0x0  }
0x1f: {  	s9 =	smul.u32 $0xF7A, s1;
	s8 =	simm.s32 @!p0 $0x1BF5;
	p2 =	por !p2, p0  }
0x20: {  	[sflag:s8] =	ssyncset.s32 @!p0 $0xFFFFF086;
	s6 =	sadd.s32 @!p0 s3, s7;
	s7 =	simm.s32 @!p0 $0x108  }
0x21: {  	s3 =	sadd.s32 s3, s9;
	s6 =	sadd.s32 @!p0 $0x88, s6;
	s7 =	simm.s32 @p2 $0x1082  }
0x22: {  	[simem:s7], [sflag:s8] =	dma.local @!p0 [hbm:s6], $0xF7A  }
0x23: {  	s9 =	sor.u32 $0xD0000000, s2;
	s6 =	simm.s32 $0x108;
	_ =	swait.ge @!p0 [sflag:s8], $0x0  }
0x24: {  	s3 =	sadd.s32 $0x88, s3;
	s6 =	simm.s32 @!p1 $0x1082;
	[sflag:s4] =	ssyncset.s32 $0xFFFFF086  }
0x25: {  	[simem:s6], [sflag:s4] =	dma.local [hbm:s3], $0xF7A  }
0x26: {  	[smem:$0x3F92] =	sst s1;
	(tag) =	ssettag s2;
	_ =	strace s9  }
0x27: {  	s1 =	sld [smem:$0x3FA2]  }
0x28: {  	s2 =	sld [smem:$0x3FA3]  }
0x29: {  	s4 =	sld [smem:$0x3FA5]  }
0x2a: {  	p0 =	seq.s32 s5, $0x0;
	s5 =	sld [smem:$0x3FA6]  }
0x2b: {  	s6 =	sld [smem:$0x3FA7]  }
0x2c: {  	s7 =	sld [smem:$0x3FA8]  }
0x2d: {  	s3 =	simm.s32 $0x108;
	s8 =	sld [smem:$0x3FA9]  }
0x2e: {  	s3 =	simm.s32 @!p0 $0x1082;
	s9 =	sld [smem:$0x3FAA]  }
0x2f: {  	lr =	sadd.s32 s0, s3;
	s0 =	sld [smem:$0x3FA1]  }
0x30: {  	s3 =	sld [smem:$0x3FA4]  }
0x31: {  	[smem:$0x3FAD] =	sst s10  }
0x32: {  	s10 =	sld [smem:$0x3FAB];
	_ =	sdelay $0x3  }
0x33: {  	p0 =	seq.s32 s10, $0x1;
	s10 =	sld [smem:$0x3FAD];
	_ =	sdelay $0x3  }
0x34: {  	[smem:$0x3FAD] =	sst s10  }
0x35: {  	s10 =	sld [smem:$0x3FAC];
	_ =	sdelay $0x3  }
0x36: {  	p1 =	seq.s32 s10, $0x1;
	s10 =	sld [smem:$0x3FAD];
	_ =	sdelay $0x3  }
0x37: {  	[smem:$0x3FAD] =	sst s10  }
0x38: {  	s10 =	sld [smem:$0x3FAE]  }
0x39: {  	_ = 	snop;
	(pc) =	sbr.ind lr, $3  }
0x3a: {  	_ = 	snop  }
0x3b: {  	_ = 	snop  }
0x3c: {  	p2 =	seq.s32 s10, $0x1;
	s10 =	sld [smem:$0x3FAD]  }
0x3d: {  	_ =	shalt  }
0x3e: {  	_ =	shalt  }
0x3f: {  	_ =	shalt  }
0x40: {  	_ =	shalt  }
0x41: {  	_ =	shalt  }
0x42: {  	_ =	shalt  }
0x43: {  	_ =	shalt  }
0x44: {  	_ =	shalt  }
0x45: {  	_ =	shalt  }
0x46: {  	_ =	shalt  }
0x47: {  	_ =	shalt  }
0x48: {  	_ =	shalt  }
0x49: {  	_ =	shalt  }
0x4a: {  	_ =	shalt  }
0x4b: {  	_ =	shalt  }
0x4c: {  	_ =	shalt  }
0x4d: {  	_ =	shalt  }
0x4e: {  	_ =	shalt  }
0x4f: {  	_ =	shalt  }
0x50: {  	_ =	shalt  }
0x51: {  	_ =	shalt  }
0x52: {  	_ =	shalt  }
0x53: {  	_ =	shalt  }
0x54: {  	_ =	shalt  }
0x55: {  	_ =	shalt  }
0x56: {  	_ =	shalt  }
0x57: {  	_ =	shalt  }
0x58: {  	_ =	shalt  }
0x59: {  	_ =	shalt  }
0x5a: {  	_ =	shalt  }
0x5b: {  	_ =	shalt  }
0x5c: {  	_ =	shalt  }
0x5d: {  	_ =	shalt  }
0x5e: {  	_ =	shalt  }
0x5f: {  	_ =	shalt  }
0x60: {  	_ =	shalt  }
0x61: {  	_ =	shalt  }
0x62: {  	_ =	shalt  }
0x63: {  	_ =	shalt  }
0x64: {  	_ =	shalt  }
0x65: {  	_ =	shalt  }
0x66: {  	_ =	shalt  }
0x67: {  	_ =	shalt  }
0x68: {  	_ =	shalt  }
0x69: {  	_ =	shalt  }
0x6a: {  	_ =	shalt  }
0x6b: {  	_ =	shalt  }
0x6c: {  	_ =	shalt  }
0x6d: {  	_ =	shalt  }
0x6e: {  	_ =	shalt  }
0x6f: {  	_ =	shalt  }
0x70: {  	_ =	shalt  }
0x71: {  	_ =	shalt  }
0x72: {  	_ =	shalt  }
0x73: {  	_ =	shalt  }
0x74: {  	_ =	shalt  }
0x75: {  	_ =	shalt  }
0x76: {  	_ =	shalt  }
0x77: {  	_ =	shalt  }
0x78: {  	_ =	shalt  }
0x79: {  	_ =	shalt  }
0x7a: {  	_ =	shalt  }
0x7b: {  	_ =	shalt  }
0x7c: {  	_ =	shalt  }
0x7d: {  	_ =	shalt  }
0x7e: {  	_ =	shalt  }
0x7f: {  	_ =	shalt  }
0x80: {  	_ =	shalt  }
0x81: {  	_ =	shalt  }
0x82: {  	_ =	shalt  }
0x83: {  	_ =	shalt  }
0x84: {  	_ =	shalt  }
0x85: {  	_ =	shalt  }
0x86: {  	_ =	shalt  }
0x87: {  	_ =	shalt  }
.Lfunc_end0:
.L_simem_size_0:
called_computation_lowered:
.L_overlay_start_0:
0x88: {  	s2 =	sld [smem:$0x3FD9]  }
0x89: {  	s3 =	sld [smem:$0x3FFE];
	_ =	sdelay $0x1  }
0x8a: {  	s1 =	srdreg.scid  }
0x8b: {  	s0 =	sand.u32 $0x1, s1  }
0x8c: {  	s17 =	sshll.u32 s0, $0xA;
	s2 =	sadd.s32 s3, s2  }
0x8d: {  	s2 =	sadd.s32 s2, s17  }
0x8e: {  	[smem:$0x3FB9] =	sst s2  }
0x8f: {  	_ = 	snop  }
0x90: {  	s2 =	sld [smem:$0x3FD0];
	(tm) =	ssettm $0x1  }
0x91: {  	s18 =	sld [smem:$0x3FFB];
	_ =	sdelay $0x3  }
0x92: {  	_ =	strace s18  }
0x93: {  	s3 =	sld [smem:$0x3FFC];
	_ =	sdelay $0x3  }
0x94: {  	_ =	strace s3  }
0x95: {  	s3 =	sld [smem:$0x3FFD];
	_ =	sdelay $0x3  }
0x96: {  	_ =	strace s3  }
0x97: {  	_ =	strace $0x8FFFFFFF  }
0x98: {  	s19 =	sld [smem:$0x3FDB];
	_ =	sdelay $0x1  }
0x99: {  	s4 =	simm.s32 $_scs_section_size  }
0x9a: {  	s5 =	simm.s32 $_size__tile_overlayer_lowered;
	s6 =	simm.s32 $_tile_overlayer_lowered  }
0x9b: {  	s22 =	simm.s32 $0x1BFF;
	s21 =	sshll.u32 s6, $0x1;
	s3 =	sadd.s32 s4, s19  }
0x9c: {  	s7 =	simm.s32 $0x0;
	s20 =	sshll.u32 s5, $0x1;
	s5 =	sadd.s32 s21, s3  }
0x9d: {  	[timem:s7], [sflag:s22] =	dma.local [hbm:s5], s20  }
0x9e: {  	_ =	swait.ge [sflag:s22], s20  }
0x9f: {  	s4 =	ssub.s32 $0x0, s20;
	[sflag:s22] =	ssyncset.done $0x0  }
0xa0: {  	[sflag:s22] =	ssyncadd.s32 s4;
	_ =	sdelay $0x1  }
0xa1: {  	s23 =	simm.s32 $0x1B8B  }
0xa2: {  	_ =	swait.ge [sflag:s23], $0x1  }
0xa3: {  	[sflag:s23] =	ssyncset.done $0x0  }
0xa4: {  	s25 =	simm.s32 $0x1B8E;
	s24 =	sld [smem:$0x3FFE];
	[sflag:s23] =	ssyncadd.s32 $0xFFFFFFFF  }
0xa5: {  	s26 =	simm.s32 $execute0_lowered;
	[smem:$0x3FD2] =	sst s25  }
0xa6: {  	s5 =	sshll.u32 s26, $0x1;
	_ =	strace $0x80000046;
	[dreg:$0x1] =	wrdreg $0xFFFFFFFF  }
0xa7: {  	s28 =	simm.s32 $_size_execute0_lowered;
	s3 =	sadd.s32 s3, s5;
	[dreg:$0x0] =	wrdreg $0x0  }
0xa8: {  	s5 =	sshll.u32 s28, $0x1;
	[dreg:$0x2] =	wrdreg s3  }
0xa9: {  	[dreg:$0x3] =	wrdreg s5  }
0xaa: {  	[dreg:$0x4] =	wrdreg $0xC0  }
0xab: {  	_ =	task [dreg:s7], $0x5FFFF  }
0xac: {  	[dreg:$0x1] =	wrdreg $0xFFFFFFFF  }
0xad: {  	[dreg:$0x0] =	wrdreg $0x60  }
0xae: {  	[dreg:$0x2] =	wrdreg s2  }
0xaf: {  	[dreg:$0x3] =	wrdreg s24  }
0xb0: {  	[dreg:$0x4] =	wrdreg $0x10A800  }
0xb1: {  	[dreg:$0x5] =	wrdreg $0x9  }
0xb2: {  	_ =	task.clear_ibuf [dreg:s7], $0x6FFFF;
	_ =	strace $0x90000046  }
0xb3: {  	s29 =	simm.s32 $0x9;
	_ =	strace $0x80000048  }
0xb4: {  	_ =	swait.ge [sflag:s29], $0x1  }
0xb5: {  	[sflag:s29] =	ssyncadd.s32 $0xFFFFFFFF  }
0xb6: {  	_ =	strace $0x90000048  }
0xb7: {  	_ =	sfence  }
0xb8: {  	s30 =	sld [smem:$0x0];
	_ =	sdelay $0x2  }
0xb9: {  	s31 =	sshll.u32 s1, $0xD;
	s1 =	sshrl.u32 s1, $0x2  }
0xba: {  	s3 =	sand.u32 $0x4000, s31;
	s1 =	sadd.s32 s1, s30  }
0xbb: {  	s0 =	sor.u32 s3, s0;
	s1 =	sshll.u32 s1, $0x11  }
0xbc: {  	s0 =	sor.u32 s1, s0  }
0xbd: {  	s0 =	sadd.s32 $0x8F2B, s0  }
0xbe: {  	[sflag:s0] =	ssyncadd.remote.s32 $0x1  }
0xbf: {  	_ =	sfence.sel $0xFFFF  }
0xc0: {  	[dreg:$0x0] =	wrdreg $0xFFFFFFFF;
	(pc) =	sbr.abs _section_cstart, $3  }
0xc1: {  	[dreg:$0x1] =	wrdreg $0xFFFFFFFF  }
0xc2: {  	_ =	task.clear_ibuf [dreg:s7], $0x2FFFF;
	_ =	strace $0x9FFFFFFF  }
0xc3: {  	(tm) =	ssettm $0x7FFFFFFF  }
tec
execute0_lowered:
.L_overlay_start_1:
0x0: {  	(tag) =	ssettag $0x1  }
0x1: {  	s1 =	rddreg [dreg:$0x0]  }
0x2: {  	s0 =	rddreg [dreg:$0x1];
	s13 =	stileid.u32  }
0x3: {  	s2 =	srdreg.scid;
	s3 =	rddreg [dreg:$0x2];
	s4 =	simm.s32 $0x0  }
0x4: {  	s17 =	simm.s32 $0x3;
	s18 =	simm.s32 $0x800;
	s19 =	simm.s32 $0x4800  }
0x5: {  	s20 =	simm.s32 $0x8800;
	s21 =	simm.s32 $0xC800;
	s7 =	smul.u32 $0x50000, s13  }
0x6: {  	s22 =	simm.s32 $0x1;
	s29 =	simm.s32 $0x10980;
	s6 =	smul.u32 $0x140, s13  }
0x7: {  	s30 =	simm.s32 $0x2;
	s2 =	sand.u32 $0x1, s2;
	s11 =	smul.u32 $0x29000, s13  }
0x8: {  	[smem:$0x7FF] =	sst s4;
	s8 =	sadd.s32 $0x3A00, s0;
	s25 =	smul.u32 $0x28000, s13  }
0x9: {  	s12 =	sadd.s32 $0x3200, s0;
	s24 =	sshll.u32 s13, $0x6;
	s5 =	smul.u32 $0x1400, s2  }
0xa: {  	_ =	strace $0x80000047;
	[dreg:$0x4] =	wrdreg s8;
	s2 =	ssub.s32 $0x2, s2  }
0xb: {  	[dreg:$0x5] =	wrdreg s12;
	s7 =	sadd.s32 s7, s0;
	s10 =	sshrl.u32 s2, $0x1  }
0xc: {  	s23 =	sshrl.u32 s11, $0x2;
	s11 =	sor.u32 $0x1C03, s24;
	s12 =	sshrl.u32 s25, $0x2  }
0xd: {  	s24 =	sadd.s32 $0x100, s6;
	s28 =	sadd.s32 $0x130, s6;
	s8 =	sadd.s32 s6, s5  }
0xe: {  	s2 =	ssub.s32 s2, s10;
	s10 =	smul.u32 $0x5000, s13;
	s14 =	sadd.s32 $0x1400, s5  }
0xf: {  	v1 =	vlaneseq.u32;
	s25 =	sadd.s32 s12, s3;
	s13 =	sadd.s32 $0x110, s6;
	s31 =	sadd.s32 $0x4E5200, s7  }
0x10: {  	v6 =	vor.u32 s28, v1;
	s28 =	simm.s32 $0x10900;
	s9 =	sshll.u32 s8, $0x4;
	s26 =	sadd.s32 $0x100, s8  }
0x11: {  	s2 =	smax.u32 s2, $0x1;
	s12 =	sadd.s32 $0x110, s8;
	s15 =	sadd.s32 $0x130, s8  }
0x12: {  	v2 =	vor.u32 s24, v1;
	s24 =	sshrl.u32 s25, $0x3;
	s25 =	simm.s32 $0x10800;
	s0 =	sadd.s32 s9, s0  }
0x13: {  	s9 =	sadd.s32 s23, s3;
	p0 =	slt.u32 s26, $0x2710;
	[dreg:$0x7] =	wrdreg s2  }
0x14: {  	p2 =	slt.u32 s12, $0x2710;
	s23 =	sadd.s32 $0x120, s8;
	s26 =	sadd.s32 $0x120, s6  }
0x15: {  	v5 =	vmov s5;
	v0 =	vmov s14;
	p3 =	slt.u32 s15, $0x2710;
	s15 =	sadd.s32 $0x80, s6;
	s0 =	sadd.s32 $0x5000, s0  }
0x16: {  	v3 =	vor.u32 s13, v1;
	p1 =	slt.u32 s23, $0x2710;
	s16 =	sshrl.u32 s9, $0x3;
	s23 =	simm.s32 $0x80;
	v4 =	vor.u32 s26, v1;
	v2 =	vpsel !p0, $0x1400, v2  }
0x17: {  	s26 =	simm.s32 $0x10880;
	v3 =	vpsel !p2, $0x1400, v3;
	v6 =	vpsel !p3, $0x1400, v6;
	[dreg:$0x6] =	wrdreg s0;
	v4 =	vpsel !p1, $0x1400, v4;
	s0 =	simm.s32 $0x0  }
.LBB2_1:
0x18: {  	s2 =	rddreg [dreg:$0x4]  }
0x19: {  	[spmem:s16], [sflag:s11] =	dma.local [hbm:s2], $0x1480  }
0x1a: {  	_ =	swait.ge [sflag:s17], $0x1480  }
0x1b: {  	[sflag:s17] =	ssyncset.done $0x0  }
0x1c: {  	[sflag:s17] =	ssyncadd.s32 $0xFFFFEB80  }
0x1d: {  	s14 =	smov.u32 s31;
	s2 =	simm.s32 $0x0;
	[bflag:$0x0] =	sbarrier.arrive $0xFFFF  }
.LBB2_2:
0x1e: {  	s7 =	sshll.u32 s2, $0xB  }
0x1f: {  	s7 =	sadd.s32 s10, s7  }
0x20: {  	s7 =	sshrl.u32 s7, $0x3  }
0x21: {  	s9 =	sadd.s32 s1, s7;
	s7 =	simm.s32 $0x0  }
0x22: {  	[tilespmem:s7], [sflag:$0x3] =	stream.linear.gather [hbm4b:s9+s7], $0x800, $0x38;
	[tilespmem:$0x11F00] =	vst v63  }
0x23: {  	_ =	swait.ge [sflag:s17], $0x800  }
0x24: {  	[sflag:s17] =	ssyncset.done $0x0  }
0x25: {  	s9 =	simm.s32 $0x100;
	[sflag:s17] =	ssyncadd.s32 $0xFFFFF800  }
.LBB2_3:
0x26: {  	s12 =	sadd.s32 s7, s14  }
0x27: {  	[tilespmem:s18], [sflag:$0x1] =	stream.linear.gather [hbm4b:s12+s4], $0x4000, $0x38;
	[tilespmem:$0x11F00] =	vst v63  }
0x28: {  	s13 =	sadd.s32 $0x800, s12  }
0x29: {  	[tilespmem:s19], [sflag:$0x1] =	stream.linear.gather [hbm4b:s13+s4], $0x4000, $0x38;
	[tilespmem:$0x11F00] =	vst v63  }
0x2a: {  	s13 =	sadd.s32 $0x1000, s12  }
0x2b: {  	[tilespmem:s20], [sflag:$0x1] =	stream.linear.gather [hbm4b:s13+s4], $0x4000, $0x38;
	[tilespmem:$0x11F00] =	vst v63  }
0x2c: {  	s12 =	sadd.s32 $0x1800, s12  }
0x2d: {  	[tilespmem:s21], [sflag:$0x1] =	stream.linear.gather [hbm4b:s12+s4], $0x4000, $0x38;
	[tilespmem:$0x11F00] =	vst v63  }
0x2e: {  	_ =	swait.ge [sflag:s22], $0x4000  }
0x2f: {  	[sflag:s22] =	ssyncset.done $0x0  }
0x30: {  	[sflag:s22] =	ssyncadd.s32 $0xFFFFC000  }
0x31: {  	v7 =	vld [tilespmem:s9+$0xFFFFFF00];
	_ =	sdelay $0x4  }
0x32: {  	vm0 =	vge.s32 v7, v5;
	vm1 =	vlt.s32 v7, v0  }
0x33: {  	v7 =	vsub.s32 v7, v5;
	vm0 =	vmand vm0, vm1  }
0x34: {  	v7 =	vnsel vm0, $0x1400, v7  }
0x35: {  	[tilespmem:$0x10800] =	vst v7  }
0x36: {  	v7 =	vld [tilespmem:s9+$0xFFFFFF10];
	_ =	sdelay $0x4  }
0x37: {  	vm14 =	vge.s32 v7, v5;
	vm15 =	vlt.s32 v7, v0  }
0x38: {  	v7 =	vsub.s32 v7, v5;
	vm0 =	vmand vm14, vm15  }
0x39: {  	v7 =	vnsel vm0, $0x1400, v7  }
0x3a: {  	[tilespmem:$0x10810] =	vst v7  }
0x3b: {  	v7 =	vld [tilespmem:s9+$0xFFFFFF20];
	_ =	sdelay $0x4  }
0x3c: {  	vm4 =	vge.s32 v7, v5;
	vm5 =	vlt.s32 v7, v0  }
0x3d: {  	v7 =	vsub.s32 v7, v5;
	vm0 =	vmand vm4, vm5  }
0x3e: {  	v7 =	vnsel vm0, $0x1400, v7  }
0x3f: {  	[tilespmem:$0x10820] =	vst v7  }
0x40: {  	v7 =	vld [tilespmem:s9+$0xFFFFFF30];
	_ =	sdelay $0x4  }
0x41: {  	vm6 =	vge.s32 v7, v5;
	vm7 =	vlt.s32 v7, v0  }
0x42: {  	v7 =	vsub.s32 v7, v5;
	vm0 =	vmand vm6, vm7  }
0x43: {  	v7 =	vnsel vm0, $0x1400, v7  }
0x44: {  	[tilespmem:$0x10830] =	vst v7  }
0x45: {  	v7 =	vld [tilespmem:s9+$0xFFFFFF40];
	_ =	sdelay $0x4  }
0x46: {  	vm8 =	vge.s32 v7, v5;
	vm9 =	vlt.s32 v7, v0  }
0x47: {  	v7 =	vsub.s32 v7, v5;
	vm0 =	vmand vm8, vm9  }
0x48: {  	v7 =	vnsel vm0, $0x1400, v7  }
0x49: {  	[tilespmem:$0x10840] =	vst v7  }
0x4a: {  	v7 =	vld [tilespmem:s9+$0xFFFFFF50];
	_ =	sdelay $0x4  }
0x4b: {  	vm10 =	vge.s32 v7, v5;
	vm11 =	vlt.s32 v7, v0  }
0x4c: {  	v7 =	vsub.s32 v7, v5;
	vm0 =	vmand vm10, vm11  }
0x4d: {  	v7 =	vnsel vm0, $0x1400, v7  }
0x4e: {  	[tilespmem:$0x10850] =	vst v7  }
0x4f: {  	v7 =	vld [tilespmem:s9+$0xFFFFFF60];
	_ =	sdelay $0x4  }
0x50: {  	vm12 =	vge.s32 v7, v5;
	vm13 =	vlt.s32 v7, v0  }
0x51: {  	v7 =	vsub.s32 v7, v5;
	vm0 =	vmand vm12, vm13  }
0x52: {  	v7 =	vnsel vm0, $0x1400, v7  }
0x53: {  	[tilespmem:$0x10860] =	vst v7  }
0x54: {  	v7 =	vld [tilespmem:s9+$0xFFFFFF70];
	_ =	sdelay $0x4  }
0x55: {  	vm14 =	vge.s32 v7, v5;
	vm15 =	vlt.s32 v7, v0  }
0x56: {  	v7 =	vsub.s32 v7, v5;
	vm0 =	vmand vm14, vm15  }
0x57: {  	v7 =	vnsel vm0, $0x1400, v7  }
0x58: {  	[tilespmem:$0x10870] =	vst v7  }
0x59: {  	[spmem:s3] =	stream.indirect.scatter.add.f32 [tilespmem:s18], [sflag:$0x2], $0x10, s25, s23, $0xb8;
	[tilespmem:$0x11F00] =	vst v63  }
0x5a: {  	_ =	swait.ge [sflag:s22], $0x4000  }
0x5b: {  	[sflag:s22] =	ssyncset.done $0x0  }
0x5c: {  	[sflag:s22] =	ssyncadd.s32 $0xFFFFC000  }
0x5d: {  	v7 =	vld [tilespmem:s9+$0xFFFFFF80];
	_ =	sdelay $0x4  }
0x5e: {  	vm4 =	vge.s32 v7, v5;
	vm5 =	vlt.s32 v7, v0  }
0x5f: {  	v7 =	vsub.s32 v7, v5;
	vm0 =	vmand vm4, vm5  }
0x60: {  	v7 =	vnsel vm0, $0x1400, v7  }
0x61: {  	[tilespmem:$0x10880] =	vst v7  }
0x62: {  	v7 =	vld [tilespmem:s9+$0xFFFFFF90];
	_ =	sdelay $0x4  }
0x63: {  	vm6 =	vge.s32 v7, v5;
	vm7 =	vlt.s32 v7, v0  }
0x64: {  	v7 =	vsub.s32 v7, v5;
	vm0 =	vmand vm6, vm7  }
0x65: {  	v7 =	vnsel vm0, $0x1400, v7  }
0x66: {  	[tilespmem:$0x10890] =	vst v7  }
0x67: {  	v7 =	vld [tilespmem:s9+$0xFFFFFFA0];
	_ =	sdelay $0x4  }
0x68: {  	vm8 =	vge.s32 v7, v5;
	vm9 =	vlt.s32 v7, v0  }
0x69: {  	v7 =	vsub.s32 v7, v5;
	vm0 =	vmand vm8, vm9  }
0x6a: {  	v7 =	vnsel vm0, $0x1400, v7  }
0x6b: {  	[tilespmem:$0x108A0] =	vst v7  }
0x6c: {  	v7 =	vld [tilespmem:s9+$0xFFFFFFB0];
	_ =	sdelay $0x4  }
0x6d: {  	vm10 =	vge.s32 v7, v5;
	vm11 =	vlt.s32 v7, v0  }
0x6e: {  	v7 =	vsub.s32 v7, v5;
	vm0 =	vmand vm10, vm11  }
0x6f: {  	v7 =	vnsel vm0, $0x1400, v7  }
0x70: {  	[tilespmem:$0x108B0] =	vst v7  }
0x71: {  	v7 =	vld [tilespmem:s9+$0xFFFFFFC0];
	_ =	sdelay $0x4  }
0x72: {  	vm12 =	vge.s32 v7, v5;
	vm13 =	vlt.s32 v7, v0  }
0x73: {  	v7 =	vsub.s32 v7, v5;
	vm0 =	vmand vm12, vm13  }
0x74: {  	v7 =	vnsel vm0, $0x1400, v7  }
0x75: {  	[tilespmem:$0x108C0] =	vst v7  }
0x76: {  	v7 =	vld [tilespmem:s9+$0xFFFFFFD0];
	_ =	sdelay $0x4  }
0x77: {  	vm14 =	vge.s32 v7, v5;
	vm15 =	vlt.s32 v7, v0  }
0x78: {  	v7 =	vsub.s32 v7, v5;
	vm0 =	vmand vm14, vm15  }
0x79: {  	v7 =	vnsel vm0, $0x1400, v7  }
0x7a: {  	[tilespmem:$0x108D0] =	vst v7  }
0x7b: {  	v7 =	vld [tilespmem:s9+$0xFFFFFFE0];
	_ =	sdelay $0x4  }
0x7c: {  	vm4 =	vge.s32 v7, v5;
	vm5 =	vlt.s32 v7, v0  }
0x7d: {  	v7 =	vsub.s32 v7, v5;
	vm0 =	vmand vm4, vm5  }
0x7e: {  	v7 =	vnsel vm0, $0x1400, v7  }
0x7f: {  	[tilespmem:$0x108E0] =	vst v7  }
0x80: {  	v7 =	vld [tilespmem:s9+$0xFFFFFFF0];
	_ =	sdelay $0x4  }
0x81: {  	vm6 =	vge.s32 v7, v5;
	vm7 =	vlt.s32 v7, v0  }
0x82: {  	v7 =	vsub.s32 v7, v5;
	vm0 =	vmand vm6, vm7  }
0x83: {  	v7 =	vnsel vm0, $0x1400, v7  }
0x84: {  	[tilespmem:$0x108F0] =	vst v7  }
0x85: {  	[spmem:s3] =	stream.indirect.scatter.add.f32 [tilespmem:s19], [sflag:$0x2], $0x10, s26, s23, $0xb8;
	[tilespmem:$0x11F00] =	vst v63  }
0x86: {  	_ =	swait.ge [sflag:s22], $0x4000  }
0x87: {  	[sflag:s22] =	ssyncset.done $0x0  }
0x88: {  	[sflag:s22] =	ssyncadd.s32 $0xFFFFC000  }
0x89: {  	v7 =	vld [tilespmem:s9+$0x0];
	_ =	sdelay $0x4  }
0x8a: {  	vm8 =	vge.s32 v7, v5;
	vm9 =	vlt.s32 v7, v0  }
0x8b: {  	v7 =	vsub.s32 v7, v5;
	vm0 =	vmand vm8, vm9  }
0x8c: {  	v7 =	vnsel vm0, $0x1400, v7  }
0x8d: {  	[tilespmem:$0x10900] =	vst v7  }
0x8e: {  	v7 =	vld [tilespmem:s9+$0x10];
	_ =	sdelay $0x4  }
0x8f: {  	vm10 =	vge.s32 v7, v5;
	vm11 =	vlt.s32 v7, v0  }
0x90: {  	v7 =	vsub.s32 v7, v5;
	vm0 =	vmand vm10, vm11  }
0x91: {  	v7 =	vnsel vm0, $0x1400, v7  }
0x92: {  	[tilespmem:$0x10910] =	vst v7  }
0x93: {  	v7 =	vld [tilespmem:s9+$0x20];
	_ =	sdelay $0x4  }
0x94: {  	vm12 =	vge.s32 v7, v5;
	vm13 =	vlt.s32 v7, v0  }
0x95: {  	v7 =	vsub.s32 v7, v5;
	vm0 =	vmand vm12, vm13  }
0x96: {  	v7 =	vnsel vm0, $0x1400, v7  }
0x97: {  	[tilespmem:$0x10920] =	vst v7  }
0x98: {  	v7 =	vld [tilespmem:s9+$0x30];
	_ =	sdelay $0x4  }
0x99: {  	vm14 =	vge.s32 v7, v5;
	vm15 =	vlt.s32 v7, v0  }
0x9a: {  	v7 =	vsub.s32 v7, v5;
	vm0 =	vmand vm14, vm15  }
0x9b: {  	v7 =	vnsel vm0, $0x1400, v7  }
0x9c: {  	[tilespmem:$0x10930] =	vst v7  }
0x9d: {  	v7 =	vld [tilespmem:s9+$0x40];
	_ =	sdelay $0x4  }
0x9e: {  	vm4 =	vge.s32 v7, v5;
	vm5 =	vlt.s32 v7, v0  }
0x9f: {  	v7 =	vsub.s32 v7, v5;
	vm0 =	vmand vm4, vm5  }
0xa0: {  	v7 =	vnsel vm0, $0x1400, v7  }
0xa1: {  	[tilespmem:$0x10940] =	vst v7  }
0xa2: {  	v7 =	vld [tilespmem:s9+$0x50];
	_ =	sdelay $0x4  }
0xa3: {  	vm6 =	vge.s32 v7, v5;
	vm7 =	vlt.s32 v7, v0  }
0xa4: {  	v7 =	vsub.s32 v7, v5;
	vm0 =	vmand vm6, vm7  }
0xa5: {  	v7 =	vnsel vm0, $0x1400, v7  }
0xa6: {  	[tilespmem:$0x10950] =	vst v7  }
0xa7: {  	v7 =	vld [tilespmem:s9+$0x60];
	_ =	sdelay $0x4  }
0xa8: {  	vm8 =	vge.s32 v7, v5;
	vm9 =	vlt.s32 v7, v0  }
0xa9: {  	v7 =	vsub.s32 v7, v5;
	vm0 =	vmand vm8, vm9  }
0xaa: {  	v7 =	vnsel vm0, $0x1400, v7  }
0xab: {  	[tilespmem:$0x10960] =	vst v7  }
0xac: {  	v7 =	vld [tilespmem:s9+$0x70];
	_ =	sdelay $0x4  }
0xad: {  	vm10 =	vge.s32 v7, v5;
	vm11 =	vlt.s32 v7, v0  }
0xae: {  	v7 =	vsub.s32 v7, v5;
	vm0 =	vmand vm10, vm11  }
0xaf: {  	v7 =	vnsel vm0, $0x1400, v7  }
0xb0: {  	[tilespmem:$0x10970] =	vst v7  }
0xb1: {  	[spmem:s3] =	stream.indirect.scatter.add.f32 [tilespmem:s20], [sflag:$0x2], $0x10, s28, s23, $0xb8;
	[tilespmem:$0x11F00] =	vst v63  }
0xb2: {  	_ =	swait.ge [sflag:s22], $0x4000  }
0xb3: {  	[sflag:s22] =	ssyncset.done $0x0  }
0xb4: {  	[sflag:s22] =	ssyncadd.s32 $0xFFFFC000  }
0xb5: {  	v7 =	vld [tilespmem:s9+$0x80];
	_ =	sdelay $0x4  }
0xb6: {  	vm12 =	vge.s32 v7, v5;
	vm13 =	vlt.s32 v7, v0  }
0xb7: {  	v7 =	vsub.s32 v7, v5;
	vm0 =	vmand vm12, vm13  }
0xb8: {  	v7 =	vnsel vm0, $0x1400, v7  }
0xb9: {  	[tilespmem:$0x10980] =	vst v7  }
0xba: {  	v7 =	vld [tilespmem:s9+$0x90];
	_ =	sdelay $0x4  }
0xbb: {  	vm14 =	vge.s32 v7, v5;
	vm15 =	vlt.s32 v7, v0  }
0xbc: {  	v7 =	vsub.s32 v7, v5;
	vm0 =	vmand vm14, vm15  }
0xbd: {  	v7 =	vnsel vm0, $0x1400, v7  }
0xbe: {  	[tilespmem:$0x10990] =	vst v7  }
0xbf: {  	v7 =	vld [tilespmem:s9+$0xA0];
	_ =	sdelay $0x4  }
0xc0: {  	vm4 =	vge.s32 v7, v5;
	vm5 =	vlt.s32 v7, v0  }
0xc1: {  	v7 =	vsub.s32 v7, v5;
	vm0 =	vmand vm4, vm5  }
0xc2: {  	v7 =	vnsel vm0, $0x1400, v7  }
0xc3: {  	[tilespmem:$0x109A0] =	vst v7  }
0xc4: {  	v7 =	vld [tilespmem:s9+$0xB0];
	_ =	sdelay $0x4  }
0xc5: {  	vm6 =	vge.s32 v7, v5;
	vm7 =	vlt.s32 v7, v0  }
0xc6: {  	v7 =	vsub.s32 v7, v5;
	vm0 =	vmand vm6, vm7  }
0xc7: {  	v7 =	vnsel vm0, $0x1400, v7  }
0xc8: {  	[tilespmem:$0x109B0] =	vst v7  }
0xc9: {  	v7 =	vld [tilespmem:s9+$0xC0];
	_ =	sdelay $0x4  }
0xca: {  	vm8 =	vge.s32 v7, v5;
	vm9 =	vlt.s32 v7, v0  }
0xcb: {  	v7 =	vsub.s32 v7, v5;
	vm0 =	vmand vm8, vm9  }
0xcc: {  	v7 =	vnsel vm0, $0x1400, v7  }
0xcd: {  	[tilespmem:$0x109C0] =	vst v7  }
0xce: {  	v7 =	vld [tilespmem:s9+$0xD0];
	_ =	sdelay $0x4  }
0xcf: {  	vm10 =	vge.s32 v7, v5;
	vm11 =	vlt.s32 v7, v0  }
0xd0: {  	v7 =	vsub.s32 v7, v5;
	vm0 =	vmand vm10, vm11  }
0xd1: {  	v7 =	vnsel vm0, $0x1400, v7  }
0xd2: {  	[tilespmem:$0x109D0] =	vst v7  }
0xd3: {  	v7 =	vld [tilespmem:s9+$0xE0];
	_ =	sdelay $0x4  }
0xd4: {  	vm12 =	vge.s32 v7, v5;
	vm13 =	vlt.s32 v7, v0  }
0xd5: {  	v7 =	vsub.s32 v7, v5;
	vm0 =	vmand vm12, vm13  }
0xd6: {  	v7 =	vnsel vm0, $0x1400, v7  }
0xd7: {  	[tilespmem:$0x109E0] =	vst v7  }
0xd8: {  	v7 =	vld [tilespmem:s9+$0xF0];
	_ =	sdelay $0x4  }
0xd9: {  	vm14 =	vge.s32 v7, v5;
	vm15 =	vlt.s32 v7, v0  }
0xda: {  	v7 =	vsub.s32 v7, v5;
	vm0 =	vmand vm14, vm15  }
0xdb: {  	v7 =	vnsel vm0, $0x1400, v7  }
0xdc: {  	[tilespmem:$0x109F0] =	vst v7  }
0xdd: {  	[spmem:s3] =	stream.indirect.scatter.add.f32 [tilespmem:s21], [sflag:$0x2], $0x10, s29, s23, $0xb8;
	[tilespmem:$0x11F00] =	vst v63  }
0xde: {  	_ =	swait.ge [sflag:s30], $0x800  }
0xdf: {  	[sflag:s30] =	ssyncset.done $0x0  }
0xe0: {  	[sflag:s30] =	ssyncadd.s32 $0xFFFFF800  }
0xe1: {  	_ =	swait.ge [sflag:s30], $0x800  }
0xe2: {  	[sflag:s30] =	ssyncset.done $0x0  }
0xe3: {  	[sflag:s30] =	ssyncadd.s32 $0xFFFFF800  }
0xe4: {  	p0 =	sne.s32 s7, $0x6000;
	_ =	swait.ge [sflag:s30], $0x800  }
.Ltmp0:
0xe5: {  	[sflag:s30] =	ssyncset.done $0x0;
	(pc) =	sbr.rel @p0 .LBB2_3-.Ltmp0, $4  }
0xe6: {  	[sflag:s30] =	ssyncadd.s32 $0xFFFFF800  }
0xe7: {  	_ =	swait.ge [sflag:s30], $0x800  }
0xe8: {  	[sflag:s30] =	ssyncset.done $0x0  }
0xe9: {  	s7 =	sadd.s32 $0x2000, s7;
	s9 =	sadd.s32 $0x200, s9;
	[sflag:s30] =	ssyncadd.s32 $0xFFFFF800  }
0xea: {  	s2 =	sadd.s32 $0x1, s2  }
0xeb: {  	p0 =	sne.s32 s2, $0xA  }
.Ltmp1:
0xec: {  	_ = 	snop;
	(pc) =	sbr.rel @p0 .LBB2_2-.Ltmp1, $2  }
0xed: {  	_ =	sdelay $0x2  }
0xee: {  	s14 =	sadd.s32 $0x8000, s14  }
0xef: {  	s2 =	simm.s32 $0x0;
	s7 =	rddreg [dreg:$0x5]  }
0xf0: {  	[tilespmem:s18], [sflag:$0x3] =	stream.linear.gather [hbm4b:s7+s2], $0x4000, $0x38;
	[tilespmem:$0x11F00] =	vst v63  }
0xf1: {  	_ =	swait.ge [sflag:s17], $0x4000  }
0xf2: {  	p0 =	slt.u32 s8, $0x2710;
	v7 =	vor.u32 s6, v1;
	s9 =	simm.s32 $0x0;
	[sflag:s17] =	ssyncset.done $0x0  }
0xf3: {  	s2 =	simm.s32 $0x40;
	v7 =	vpsel !p0, $0x1400, v7;
	s7 =	smov.u32 s6;
	[sflag:s17] =	ssyncadd.s32 $0xFFFFC000  }
.LBB2_6:
0xf4: {  	p0 =	sne.s32 s2, $0x1C0  }
0xf5: {  	[tilespmem:s9+$0x10800] =	vst v7;
	s7 =	sadd.s32 $0x10, s7;
	s9 =	smov.u32 s2;
	s2 =	sadd.s32 $0x40, s2  }
.Ltmp2:
0xf6: {  	(pc) =	sbr.rel @p0 .LBB2_6-.Ltmp2, $4  }
0xf7: {  	_ = 	snop  }
0xf8: {  	s12 =	sadd.s32 s7, s5  }
0xf9: {  	v7 =	vor.u32 s7, v1;
	p1 =	slt.u32 s12, $0x2710  }
0xfa: {  	s9 =	sshra.s32 s9, $0x2;
	v7 =	vpsel !p1, $0x1400, v7  }
0xfb: {  	[tilespmem:s9+$0x10800] =	vst v7  }
0xfc: {  	[spmem:s3] =	stream.indirect.scatter.add.f32 [tilespmem:s18], [sflag:$0x3], $0x10, s25, s23, $0xb8;
	[tilespmem:$0x11F00] =	vst v63  }
0xfd: {  	s2 =	sadd.s32 s15, s5;
	_ =	swait.ge [sflag:s17], $0x800  }
0xfe: {  	v7 =	vor.u32 s15, v1;
	s9 =	simm.s32 $0x0;
	p0 =	slt.u32 s2, $0x2710;
	[sflag:s17] =	ssyncset.done $0x0  }
0xff: {  	s7 =	smov.u32 s15;
	s2 =	simm.s32 $0x40;
	v7 =	vpsel !p0, $0x1400, v7;
	[sflag:s17] =	ssyncadd.s32 $0xFFFFF800  }
.LBB2_8:
0x100: {  	p0 =	sne.s32 s2, $0x1C0  }
0x101: {  	[tilespmem:s9+$0x10800] =	vst v7;
	s7 =	sadd.s32 $0x10, s7;
	s9 =	smov.u32 s2;
	s2 =	sadd.s32 $0x40, s2  }
.Ltmp3:
0x102: {  	(pc) =	sbr.rel @p0 .LBB2_8-.Ltmp3, $4  }
0x103: {  	_ = 	snop  }
0x104: {  	s12 =	sadd.s32 s7, s5  }
0x105: {  	v7 =	vor.u32 s7, v1;
	p1 =	slt.u32 s12, $0x2710  }
0x106: {  	s9 =	sshra.s32 s9, $0x2;
	v7 =	vpsel !p1, $0x1400, v7  }
0x107: {  	[tilespmem:s9+$0x10800] =	vst v7  }
0x108: {  	[spmem:s3] =	stream.indirect.scatter.add.f32 [tilespmem:s18], [sflag:$0x3], $0x10, s25, s23, $0xb8;
	[tilespmem:$0x11F00] =	vst v63  }
0x109: {  	_ =	swait.ge [sflag:s17], $0x800  }
0x10a: {  	[sflag:s17] =	ssyncset.done $0x0  }
0x10b: {  	[sflag:s17] =	ssyncadd.s32 $0xFFFFF800  }
0x10c: {  	[tilespmem:$0x10A00] =	vst v2  }
0x10d: {  	[tilespmem:$0x10A10] =	vst v3  }
0x10e: {  	[tilespmem:$0x10A20] =	vst v4  }
0x10f: {  	s2 =	simm.s32 $0x40;
	s7 =	simm.s32 $0x10A00;
	[tilespmem:$0x10A30] =	vst v6  }
0x110: {  	[spmem:s3] =	stream.indirect.scatter.add.f32 [tilespmem:s18], [sflag:$0x3], $0x10, s7, s2, $0xb8;
	[tilespmem:$0x11F00] =	vst v63  }
0x111: {  	_ =	swait.ge [sflag:s17], $0x400  }
0x112: {  	[sflag:s17] =	ssyncset.done $0x0  }
0x113: {  	[sflag:s17] =	ssyncadd.s32 $0xFFFFFC00  }
0x114: {  	[bflag:$0x0] =	sbarrier.arrive $0xFFFF  }
0x115: {  	s13 =	rddreg [dreg:$0x6]  }
0x116: {  	[hbm:s13], [sflag:s11] =	dma.local [spmem:s24], $0x1400  }
0x117: {  	_ =	swait.ge [sflag:s17], $0x1400  }
0x118: {  	s0 =	sadd.s32 $0x1, s0;
	s14 =	rddreg [dreg:$0x7]  }
0x119: {  	p0 =	sne.s32 s0, s14  }
.Ltmp4:
0x11a: {  	_ = 	snop;
	(pc) =	sbr.rel @p0 .LBB2_1-.Ltmp4, $3  }
0x11b: {  	_ =	sdelay $0x1  }
0x11c: {  	[sflag:s17] =	ssyncset.done $0x0  }
0x11d: {  	[sflag:s17] =	ssyncadd.s32 $0xFFFFEC00  }
0x11e: {  	_ =	sfence.sel $0x180000  }
0x11f: {  	[bflag:$0x0] =	sbarrier.arrive $0xFFFF  }
0x120: {  	_ =	strace $0x90000047  }
0x121: {  	s0 =	stileid.u32;
	[bflag:$0x2] =	sbarrier.arrive $0xFFFF  }
0x122: {  	p0 =	sne.s32 s0, $0x0;
	s0 =	rddreg [dreg:$0x3]  }
0x123: {  	s0 =	sadd.s32 @!p0 $0x100000, s0  }
0x124: {  	[sflag:s0] =	ssyncadd.tile.s32 @!p0 $0x1;
	_ =	shalt  }
.Lfunc_end2:
_tile_overlayer_lowered:
.L_overlay_start_2:
0x125: {  	(tag) =	ssettag $0x2  }
0x126: {  	s0 =	rddreg [dreg:$0x0];
	s2 =	stileid.u32  }
0x127: {  	s1 =	rddreg [dreg:$0x1];
	p0 =	sne.s32 s2, $0x0  }
0x128: {  	s3 =	rddreg [dreg:$0x2];
	[bflag:$0x3] =	sbarrier.arrive $0xFFFF;
	s2 =	simm.s32 @!p0 $0x1C03  }
0x129: {  	[timem:s3], [sflag:s2] =	dma.local @!p0 [hbm:s0], s1  }
0x12a: {  	s0 =	simm.s32 @!p0 $0x3  }
0x12b: {  	_ =	swait.ge @!p0 [sflag:s0], s1  }
0x12c: {  	s1 =	ssub.s32 @!p0 $0x0, s1;
	[sflag:s0] =	ssyncset.done @!p0 $0x0  }
0x12d: {  	[sflag:s0] =	ssyncadd.s32 @!p0 s1  }
0x12e: {  	[bflag:$0x3] =	sbarrier.arrive $0xFFFF  }
0x12f: {  	_ =	shalt  }

</sc_bundles>
